<compile_context>
chip_gen: v7x
topology: tpu7x:2x2x1
jax: 0.10.2.dev20260603
libtpu: 0.0.44.dev20260713+nightly
codegen_flags: <defaults>
</compile_context>

<pallas_src>
import functools

import jax
import jax.numpy as jnp
from jax import lax
from jax.experimental import pallas as pl
from jax.experimental.pallas import tpu as pltpu
from jax.experimental.pallas import tpu_sc as plsc

MIN_NORM = 1e-15
HEIGHT = 2
MAX_SIZE = 0.999
_C = MAX_SIZE / (HEIGHT + 1)
MIN_SIZE = HEIGHT * _C

NC = 2
NS = 16
CHUNK = 128
CPB = 4


def _tc1_body(x_ref, w1t_ref, b1_ref, es1_ref, out_ref):
    x = x_ref[...]
    y = jnp.dot(x, w1t_ref[...], preferred_element_type=jnp.float32) + b1_ref[...]
    time = jax.nn.sigmoid(y[:, :1]) * es1_ref[0, 0] + 1.1
    narrow = y[:, 1:]
    ssq = jnp.clip(jnp.sum(narrow * narrow, axis=-1, keepdims=True), 1e-8, None)
    sc = (time * time - 1.0) / ssq
    h = jnp.concatenate([time, narrow * jnp.sqrt(sc)], axis=-1)
    out_ref[0] = h[:, :128]
    out_ref[1] = h[:, 128:]


def _row_ranges(n, s):
    rpt = (n // NS) // 8 * 8
    tail = n - NS * rpt
    ranges = [(s * rpt, rpt, None)]
    if tail:
        ranges.append((NS * rpt, tail, s == NS - 1))
    return ranges


def _sc_agg_body(n, n_blocks,
                 src_hbm, idx, out, idx_v, r0, r1, r2, acc, m0, m1, m2):
    c = lax.axis_index("c")
    s = lax.axis_index("s")
    for row0, sz, pred in _row_ranges(n, s):
        def _seed(row0=row0, sz=sz):
            pltpu.sync_copy(src_hbm.at[pl.ds(c * n + row0, sz)],
                            acc.at[pl.ds(row0, sz)])
        _seed() if pred is None else pl.when(pred)(_seed)
    plsc.subcore_barrier()

    w = c * NS + s
    rows = [r0, r1, r2]
    sems = [m0, m1, m2]

    def block(b, carry):
        pltpu.sync_copy(idx.at[pl.ds((w * n_blocks + b) * 8, 8)], idx_v)
        ds = [pltpu.async_copy(src_hbm.at[idx_v.at[k]], rows[k % 3],
                               sems[k % 3]) for k in range(2)]
        for k in range(CPB):
            ds[k].wait()
            if k + 2 < CPB:
                ds.append(pltpu.async_copy(src_hbm.at[idx_v.at[k + 2]],
                                           rows[(k + 2) % 3],
                                           sems[(k + 2) % 3]))
            pltpu.sync_copy(rows[k % 3], acc.at[idx_v.at[CPB + k]], add=True)
        return carry

    lax.fori_loop(0, n_blocks, block, 0)
    plsc.subcore_barrier()
    for row0, sz, pred in _row_ranges(n, s):
        def _wb(row0=row0, sz=sz):
            pltpu.sync_copy(acc.at[pl.ds(row0, sz)],
                            out.at[pl.ds(c * n + row0, sz)])
        _wb() if pred is None else pl.when(pred)(_wb)


def _tc2_body(supa_ref, supb_ref, w2t_ref, b2_ref, es2_ref, out_ref):
    support = jnp.concatenate([supa_ref[...], supb_ref[...]], axis=-1)
    inner = (-support[:, :1] * support[:, :1]
             + jnp.sum(support[:, 1:] * support[:, 1:], axis=-1, keepdims=True))
    denom = jnp.sqrt(jnp.clip(jnp.abs(inner), 1e-8, None))
    h = support / denom
    y = jnp.dot(jax.nn.relu(h), w2t_ref[...],
                preferred_element_type=jnp.float32) + b2_ref[...]
    time = jax.nn.sigmoid(y[:, :1]) * es2_ref[0, 0] + 1.1
    narrow = y[:, 1:3]
    ssq = jnp.clip(jnp.sum(narrow * narrow, axis=-1, keepdims=True), 1e-8, None)
    sc = (time * time - 1.0) / ssq
    rows = time.shape[0]
    h2 = jnp.concatenate(
        [time, narrow * jnp.sqrt(sc), jnp.zeros((rows, 13), jnp.float32)],
        axis=-1)
    out_ref[0] = h2
    out_ref[1] = jnp.zeros_like(h2)


def _tc3_body(p0_ref, p1_ref, scale_ref, out_ref):
    support = p0_ref[...] + p1_ref[...]
    inner = (-support[:, :1] * support[:, :1]
             + jnp.sum(support[:, 1:] * support[:, 1:], axis=-1, keepdims=True))
    denom = jnp.sqrt(jnp.clip(jnp.abs(inner), 1e-8, None))
    h = support / denom
    emb = h[:, 1:3] / (h[:, :1] + 1.0)
    nrm = jnp.clip(jnp.sqrt(jnp.sum(emb * emb, axis=-1, keepdims=True)),
                   1e-12, None)
    emb = (emb / nrm) * jnp.clip(scale_ref[0, 0], MIN_SIZE, MAX_SIZE)
    n2 = jnp.clip(jnp.sqrt(jnp.sum(emb * emb, axis=-1, keepdims=True)),
                  MIN_NORM, None)
    maxnorm = 1.0 - MIN_NORM
    emb = jnp.where(n2 > maxnorm, emb / n2 * maxnorm, emb)
    rows = emb.shape[0]
    out_ref[...] = jnp.concatenate(
        [emb, jnp.zeros((rows, 126), jnp.float32)], axis=-1)


def _interleaved_idx(src_rows, dst_rows, workers, epw, n, core_offsets):
    cpt = -(-(-(-epw // CHUNK)) // CPB) * CPB
    nb = cpt // CPB
    srcp = jnp.zeros((workers, cpt * CHUNK), jnp.int32).at[:, :epw].set(src_rows)
    dstp = jnp.full((workers, cpt * CHUNK), n, jnp.int32).at[:, :epw].set(dst_rows)
    s4 = srcp.reshape(workers, nb, CPB, CHUNK)
    d4 = dstp.reshape(workers, nb, CPB, CHUNK)
    planes = [jnp.concatenate([s4 + off, d4], axis=2) for off in core_offsets]
    idx = jnp.stack(planes)
    return idx.reshape(len(core_offsets) * workers * nb * 8, CHUNK), nb


def kernel(feature, edge_index, W1, b1, s1, W2, b2, s2, scale):
    n, in_f = feature.shape
    hid = W1.shape[0]
    out_f = W2.shape[0]
    e = edge_index.shape[1]
    assert hid == 256 and out_f == 3
    assert e % NS == 0 and e % (NC * NS) == 0 and n % 8 == 0
    blk = 1000
    grid = n // blk

    src = edge_index[0]
    dst = edge_index[1]
    w1t = W1.T
    b1r = b1.reshape(1, hid)
    es1 = jnp.exp(s1).reshape(1, 1)
    w2t = jnp.zeros((hid, 128), jnp.float32).at[:, :out_f].set(W2.T)
    b2r = jnp.zeros((1, 128), jnp.float32).at[0, :out_f].set(b2)
    es2 = jnp.exp(s2).reshape(1, 1)
    scale_r = scale.reshape(1, 1)

    h1 = pl.pallas_call(
        _tc1_body,
        grid=(grid,),
        in_specs=[
            pl.BlockSpec((blk, in_f), lambda i: (i, 0)),
            pl.BlockSpec((in_f, hid), lambda i: (0, 0)),
            pl.BlockSpec((1, hid), lambda i: (0, 0)),
            pl.BlockSpec((1, 1), lambda i: (0, 0)),
        ],
        out_specs=pl.BlockSpec((2, blk, 128), lambda i: (0, i, 0)),
        out_shape=jax.ShapeDtypeStruct((2, n, 128), jnp.float32),
    )(feature, w1t, b1r, es1)
    h1cat = h1.reshape(2 * n, 128)

    idx1, nb1 = _interleaved_idx(src.reshape(NS, e // NS),
                                 dst.reshape(NS, e // NS),
                                 NS, e // NS, n, core_offsets=(0, n))
    mesh = plsc.VectorSubcoreMesh(core_axis_name="c", subcore_axis_name="s")
    sup = pl.kernel(
        functools.partial(_sc_agg_body, n, nb1),
        out_type=jax.ShapeDtypeStruct((2 * n, 128), jnp.float32),
        mesh=mesh,
        scratch_types=[
            pltpu.VMEM((8, CHUNK), jnp.int32),
            pltpu.VMEM((CHUNK, 128), jnp.float32),
            pltpu.VMEM((CHUNK, 128), jnp.float32),
            pltpu.VMEM((CHUNK, 128), jnp.float32),
            pltpu.VMEM_SHARED((n + 8, 128), jnp.float32),
            pltpu.SemaphoreType.DMA,
            pltpu.SemaphoreType.DMA,
            pltpu.SemaphoreType.DMA,
        ],
    )(h1cat, idx1)

    pinit = pl.pallas_call(
        _tc2_body,
        grid=(grid,),
        in_specs=[
            pl.BlockSpec((blk, 128), lambda i: (i, 0)),
            pl.BlockSpec((blk, 128), functools.partial(lambda g, i: (g + i, 0), grid)),
            pl.BlockSpec((hid, 128), lambda i: (0, 0)),
            pl.BlockSpec((1, 128), lambda i: (0, 0)),
            pl.BlockSpec((1, 1), lambda i: (0, 0)),
        ],
        out_specs=pl.BlockSpec((2, blk, 16), lambda i: (0, i, 0)),
        out_shape=jax.ShapeDtypeStruct((2, n, 16), jnp.float32),
    )(sup, sup, w2t, b2r, es2)
    h2cat = pinit.reshape(2 * n, 16)

    idx2, nb2 = _interleaved_idx(src.reshape(NC * NS, e // (NC * NS)),
                                 dst.reshape(NC * NS, e // (NC * NS)),
                                 NC * NS, e // (NC * NS), n,
                                 core_offsets=(0,))
    p = pl.kernel(
        functools.partial(_sc_agg_body, n, nb2),
        out_type=jax.ShapeDtypeStruct((2 * n, 16), jnp.float32),
        mesh=mesh,
        scratch_types=[
            pltpu.VMEM((8, CHUNK), jnp.int32),
            pltpu.VMEM((CHUNK, 16), jnp.float32),
            pltpu.VMEM((CHUNK, 16), jnp.float32),
            pltpu.VMEM((CHUNK, 16), jnp.float32),
            pltpu.VMEM_SHARED((n + 8, 16), jnp.float32),
            pltpu.SemaphoreType.DMA,
            pltpu.SemaphoreType.DMA,
            pltpu.SemaphoreType.DMA,
        ],
        compiler_params=pltpu.CompilerParams(use_tc_tiling_on_sc=False),
    )(h2cat, idx2)

    out = pl.pallas_call(
        _tc3_body,
        grid=(grid,),
        in_specs=[
            pl.BlockSpec((blk, 16), lambda i: (i, 0)),
            pl.BlockSpec((blk, 16), functools.partial(lambda g, i: (g + i, 0), grid)),
            pl.BlockSpec((1, 1), lambda i: (0, 0)),
        ],
        out_specs=pl.BlockSpec((blk, 128), lambda i: (i, 0)),
        out_shape=jax.ShapeDtypeStruct((n, 128), jnp.float32),
    )(p, p, scale_r)
    return out[:, :out_f - 1]

# --- scband reference (transcript-rebuilt; emitter-appended) ---
"""Pipeline reference for scband-hyper-se-43834436223783 (READ-ONLY COPY).

The authoritative reference and input builder live on the scoring server;
editing this copy changes nothing except your own understanding.
"""

import jax, jax.numpy as jnp
import numpy as np

N = 10000
E = 320000
IN_F = 128
HID = 256
OUT = 3  # Lorentz ambient dim for d_hyp=2 (poincare output dim = 2)
MIN_NORM = 1e-15
HEIGHT = 2
MAX_SIZE = 0.999
C = MAX_SIZE / (HEIGHT + 1)
MIN_SIZE = HEIGHT * C


def setup_inputs(seed: int = 0):
    key = jax.random.key(seed)
    ks = jax.random.split(key, 8)
    feature = jax.random.normal(ks[0], (N, IN_F), dtype=jnp.float32)
    edge_index = jax.random.randint(ks[1], (2, E), 0, N, dtype=jnp.int32)
    W1 = jax.random.normal(ks[2], (HID, IN_F), dtype=jnp.float32) * (1.0 / np.sqrt(IN_F))
    b1 = jnp.zeros((HID,), dtype=jnp.float32)
    s1 = jnp.asarray(np.log(10.0), dtype=jnp.float32)
    W2 = jax.random.normal(ks[3], (OUT, HID), dtype=jnp.float32) * (1.0 / np.sqrt(HID))
    b2 = jnp.zeros((OUT,), dtype=jnp.float32)
    s2 = jnp.asarray(np.log(10.0), dtype=jnp.float32)
    scale = jnp.ones((1,), dtype=jnp.float32)
    return {"feature": feature, "edge_index": edge_index, "W1": W1, "b1": b1, "s1": s1, "W2": W2, "b2": b2, "s2": s2, "scale": scale}


def lorentz_linear(x, W, b, s, nonlin=None):
    # HyboNet-style LorentzLinear: Euclidean linear then re-project onto hyperboloid k=-1
    if nonlin is not None:
        x = nonlin(x)
    x = x @ W.T + b
    narrow = x[:, 1:]
    time = jax.nn.sigmoid(x[:, :1]) * jnp.exp(s) + 1.1
    sc = (time * time - 1.0) / jnp.clip(jnp.sum(narrow * narrow, axis=-1, keepdims=True), 1e-8, None)
    return jnp.concatenate([time, narrow * jnp.sqrt(sc)], axis=-1)


def lorentz_agg(h, src, dst):
    # neighborhood sum (scatter-add over edges, with self term) then Lorentz renormalization
    agg = jnp.zeros_like(h).at[dst].add(h[src])
    support = h + agg
    inner = -support[:, :1] * support[:, :1] + jnp.sum(support[:, 1:] * support[:, 1:], axis=-1, keepdims=True)
    denom = jnp.sqrt(jnp.clip(jnp.abs(inner), 1e-8, None))
    return support / denom


def reference(feature, edge_index, W1, b1, s1, W2, b2, s2, scale):
    src = edge_index[0]
    dst = edge_index[1]
    # GraphEncoder: 2 LorentzGraphConvolution layers (LorentzLinear + LorentzAgg)
    h = lorentz_linear(feature, W1, b1, s1, None)
    h = lorentz_agg(h, src, dst)
    h = lorentz_linear(h, W2, b2, s2, jax.nn.relu)
    h = lorentz_agg(h, src, dst)
    # Lorentz -> Poincare (k = -1)
    emb = h[:, 1:] / (h[:, :1] + 1.0)
    # normalize: F.normalize * scale.clamp(min_size, max_size)
    nrm = jnp.clip(jnp.linalg.norm(emb, axis=-1, keepdims=True), 1e-12, None)
    emb = (emb / nrm) * jnp.clip(scale, MIN_SIZE, MAX_SIZE)
    # project onto open Poincare ball of curvature -1
    n2 = jnp.clip(jnp.linalg.norm(emb, axis=-1, keepdims=True), MIN_NORM, None)
    maxnorm = 1.0 - MIN_NORM
    emb = jnp.where(n2 > maxnorm, emb / n2 * maxnorm, emb)
    return emb


if False:  # reference __main__ guard neutralized (emitter)
    out = reference(**setup_inputs())
    print(out.shape, out.dtype)

if __name__ == "__main__":
    import jax
    _d = setup_inputs()
    print(jax.jit(kernel)(*tuple(_d.values())))

</pallas_src>

<mosaic_0001>
#map = affine_map<(d0, d1) -> (0, 0)>
module attributes {stable_mosaic.version = 14 : i64} {
  func.func @_sc_agg_body(%arg0: i32, %arg1: i32, %arg2: memref<20000x16xf32, #tpu.memory_space<hbm>>, %arg3: memref<5120x128xi32, #tpu.memory_space<hbm>>, %arg4: memref<20000x16xf32, #tpu.memory_space<hbm>>, %arg5: memref<8x128xi32, #tpu.memory_space<vmem>>, %arg6: memref<128x16xf32, #tpu.memory_space<vmem>>, %arg7: memref<128x16xf32, #tpu.memory_space<vmem>>, %arg8: memref<128x16xf32, #tpu.memory_space<vmem>>, %arg9: memref<10008x16xf32, #tpu.memory_space<vmem_shared>>, %arg10: memref<!tpu.dma_semaphore, #tpu.memory_space<semaphore_mem>>, %arg11: memref<!tpu.dma_semaphore, #tpu.memory_space<semaphore_mem>>, %arg12: memref<!tpu.dma_semaphore, #tpu.memory_space<semaphore_mem>>) attributes {dimension_semantics = [#tpu.dimension_semantics<core_parallel>, #tpu.dimension_semantics<subcore_parallel>], iteration_bounds = array<i64: 2, 16>, scalar_prefetch = 0 : i64, scratch_operands = 8 : i64, tpu.core_type = #tpu.core_type<sc_vector_subcore>, window_params = [{transform_indices = #map}, {transform_indices = #map}, {transform_indices = #map}]} {
    %mul3A = arith.constant 624 : i32
    %mul3A_0 = arith.muli %arg1, %mul3A : i32
    %eq3A = arith.constant 15 : i32
    %eq3A_1 = arith.cmpi eq, %arg1, %eq3A : i32
    %mul3A_2 = arith.constant 10000 : i32
    %mul3A_3 = arith.muli %arg0, %mul3A_2 : i32
    %add3A = arith.addi %mul3A_3, %mul3A_0 : i32
    "tpu.region"() ({
      %run_scoped3A = tpu.sem_alloc : memref<!tpu.dma_semaphore, #tpu.memory_space<semaphore_mem>>
      %dma_start3A = arith.constant 0 : i32
      %dma_start3A_24 = tpu.memref_slice %arg9[%mul3A_0, %dma_start3A] : memref<10008x16xf32, #tpu.memory_space<vmem_shared>> -> memref<624x16xf32, #tpu.memory_space<vmem_shared>>
      %dma_start3A_25 = arith.constant 0 : i32
      %dma_start3A_26 = tpu.memref_slice %arg2[%add3A, %dma_start3A_25] : memref<20000x16xf32, #tpu.memory_space<hbm>> -> memref<624x16xf32, #tpu.memory_space<hbm>>
      tpu.enqueue_dma source(%dma_start3A_26 : memref<624x16xf32, #tpu.memory_space<hbm>>) target(%dma_start3A_24 : memref<624x16xf32, #tpu.memory_space<vmem_shared>>) target_semaphore(%run_scoped3A : memref<!tpu.dma_semaphore, #tpu.memory_space<semaphore_mem>>)
      %dma_wait3A = arith.constant 0 : i32
      %dma_wait3A_27 = tpu.memref_slice %arg9[%mul3A_0, %dma_wait3A] : memref<10008x16xf32, #tpu.memory_space<vmem_shared>> -> memref<624x16xf32, #tpu.memory_space<vmem_shared>>
      %dma_wait3A_28 = arith.constant 0 : i32
      %dma_wait3A_29 = tpu.memref_slice %arg2[%add3A, %dma_wait3A_28] : memref<20000x16xf32, #tpu.memory_space<hbm>> -> memref<624x16xf32, #tpu.memory_space<hbm>>
      tpu.wait_dma2 semaphore(%run_scoped3A : memref<!tpu.dma_semaphore, #tpu.memory_space<semaphore_mem>>) src(%dma_wait3A_29 : memref<624x16xf32, #tpu.memory_space<hbm>>) dst(%dma_wait3A_27 : memref<624x16xf32, #tpu.memory_space<vmem_shared>>)
      tpu.yield
    }) : () -> ()
    %convert_element_type3A = arith.extui %eq3A_1 : i1 to i32
    %cond3A = arith.constant 0 : i32
    %cond3A_4 = arith.cmpi ne, %convert_element_type3A, %cond3A : i32
    scf.if %cond3A_4 {
      %mul3A_24 = arith.constant 10000 : i32
      %mul3A_25 = arith.muli %arg0, %mul3A_24 : i32
      %add3A_26 = arith.constant 9984 : i32
      %add3A_27 = arith.addi %mul3A_25, %add3A_26 : i32
      "tpu.region"() ({
        %run_scoped3A = tpu.sem_alloc : memref<!tpu.dma_semaphore, #tpu.memory_space<semaphore_mem>>
        %dma_start3A = arith.constant 9984 : i32
        %dma_start3A_28 = arith.constant 0 : i32
        %dma_start3A_29 = tpu.memref_slice %arg9[%dma_start3A, %dma_start3A_28] : memref<10008x16xf32, #tpu.memory_space<vmem_shared>> -> memref<16x16xf32, #tpu.memory_space<vmem_shared>>
        %dma_start3A_30 = arith.constant 0 : i32
        %dma_start3A_31 = tpu.memref_slice %arg2[%add3A_27, %dma_start3A_30] : memref<20000x16xf32, #tpu.memory_space<hbm>> -> memref<16x16xf32, #tpu.memory_space<hbm>>
        tpu.enqueue_dma source(%dma_start3A_31 : memref<16x16xf32, #tpu.memory_space<hbm>>) target(%dma_start3A_29 : memref<16x16xf32, #tpu.memory_space<vmem_shared>>) target_semaphore(%run_scoped3A : memref<!tpu.dma_semaphore, #tpu.memory_space<semaphore_mem>>)
        %dma_wait3A = arith.constant 9984 : i32
        %dma_wait3A_32 = arith.constant 0 : i32
        %dma_wait3A_33 = tpu.memref_slice %arg9[%dma_wait3A, %dma_wait3A_32] : memref<10008x16xf32, #tpu.memory_space<vmem_shared>> -> memref<16x16xf32, #tpu.memory_space<vmem_shared>>
        %dma_wait3A_34 = arith.constant 0 : i32
        %dma_wait3A_35 = tpu.memref_slice %arg2[%add3A_27, %dma_wait3A_34] : memref<20000x16xf32, #tpu.memory_space<hbm>> -> memref<16x16xf32, #tpu.memory_space<hbm>>
        tpu.wait_dma2 semaphore(%run_scoped3A : memref<!tpu.dma_semaphore, #tpu.memory_space<semaphore_mem>>) src(%dma_wait3A_35 : memref<16x16xf32, #tpu.memory_space<hbm>>) dst(%dma_wait3A_33 : memref<16x16xf32, #tpu.memory_space<vmem_shared>>)
        tpu.yield
      }) : () -> ()
    } else {
    }
    %barrier3A = arith.constant 0 : index
    tpu.barrier barrier_id(%barrier3A)
    %mul3A_5 = arith.constant 16 : i32
    %mul3A_6 = arith.muli %arg0, %mul3A_5 : i32
    %add3A_7 = arith.addi %mul3A_6, %arg1 : i32
    %scan3A = arith.constant 0 : i32
    %scan3A_8 = arith.constant 0 : i32
    %scan3A_9 = arith.constant 20 : i32
    %scan3A_10 = arith.addi %scan3A_8, %scan3A_9 : i32
    %scan3A_11 = arith.constant 1 : i32
    scf.for %scan3A_24 = %scan3A_8 to %scan3A_10 step %scan3A_11  : i32 {
      %mul3A_25 = arith.constant 20 : i32
      %mul3A_26 = arith.muli %add3A_7, %mul3A_25 : i32
      %add3A_27 = arith.addi %mul3A_26, %scan3A_24 : i32
      %mul3A_28 = arith.constant 8 : i32
      %mul3A_29 = arith.muli %add3A_27, %mul3A_28 : i32
      "tpu.region"() ({
        %run_scoped3A_87 = tpu.sem_alloc : memref<!tpu.dma_semaphore, #tpu.memory_space<semaphore_mem>>
        %dma_start3A_88 = arith.constant 0 : i32
        %dma_start3A_89 = tpu.memref_slice %arg3[%mul3A_29, %dma_start3A_88] : memref<5120x128xi32, #tpu.memory_space<hbm>> -> memref<8x128xi32, #tpu.memory_space<hbm>>
        %dma_start3A_90 = arith.constant 0 : i32
        %dma_start3A_91 = tpu.memref_slice %arg3[%mul3A_29, %dma_start3A_90] : memref<5120x128xi32, #tpu.memory_space<hbm>> -> memref<8x128xi32, #tpu.memory_space<hbm>>
        tpu.enqueue_dma source(%dma_start3A_91 : memref<8x128xi32, #tpu.memory_space<hbm>>) target(%arg5 : memref<8x128xi32, #tpu.memory_space<vmem>>) target_semaphore(%run_scoped3A_87 : memref<!tpu.dma_semaphore, #tpu.memory_space<semaphore_mem>>)
        %dma_wait3A_92 = arith.constant 0 : i32
        %dma_wait3A_93 = tpu.memref_slice %arg3[%mul3A_29, %dma_wait3A_92] : memref<5120x128xi32, #tpu.memory_space<hbm>> -> memref<8x128xi32, #tpu.memory_space<hbm>>
        %dma_wait3A_94 = arith.constant 0 : i32
        %dma_wait3A_95 = tpu.memref_slice %arg3[%mul3A_29, %dma_wait3A_94] : memref<5120x128xi32, #tpu.memory_space<hbm>> -> memref<8x128xi32, #tpu.memory_space<hbm>>
        tpu.wait_dma2 semaphore(%run_scoped3A_87 : memref<!tpu.dma_semaphore, #tpu.memory_space<semaphore_mem>>) src(%dma_wait3A_95 : memref<8x128xi32, #tpu.memory_space<hbm>>) dst(%arg5 : memref<8x128xi32, #tpu.memory_space<vmem>>)
        tpu.yield
      }) : () -> ()
      %dma_start3A = arith.constant 0 : i32
      %dma_start3A_30 = arith.constant 0 : i32
      %dma_start3A_31 = tpu.memref_slice %arg5[%dma_start3A, %dma_start3A_30] : memref<8x128xi32, #tpu.memory_space<vmem>> -> memref<1x128xi32, #tpu.memory_space<vmem>>
      %dma_start3A_32 = tpu.memref_squeeze %dma_start3A_31 : memref<1x128xi32, #tpu.memory_space<vmem>> -> memref<128xi32, #tpu.memory_space<vmem>>
      %dma_start3A_33 = arith.constant 0 : i32
      %dma_start3A_34 = arith.constant 0 : i32
      %dma_start3A_35 = tpu.memref_slice %arg2[%dma_start3A_33, %dma_start3A_34] : memref<20000x16xf32, #tpu.memory_space<hbm>> -> memref<20000x16xf32, #tpu.memory_space<hbm>>
      tpu.enqueue_indirect_dma source(%dma_start3A_35 : memref<20000x16xf32, #tpu.memory_space<hbm>>) target(%arg6 : memref<128x16xf32, #tpu.memory_space<vmem>>) offsets(%dma_start3A_32 : memref<128xi32, #tpu.memory_space<vmem>>) semaphore(%arg10 : memref<!tpu.dma_semaphore, #tpu.memory_space<semaphore_mem>>)
      %dma_start3A_36 = arith.constant 1 : i32
      %dma_start3A_37 = arith.constant 0 : i32
      %dma_start3A_38 = tpu.memref_slice %arg5[%dma_start3A_36, %dma_start3A_37] : memref<8x128xi32, #tpu.memory_space<vmem>> -> memref<1x128xi32, #tpu.memory_space<vmem>>
      %dma_start3A_39 = tpu.memref_squeeze %dma_start3A_38 : memref<1x128xi32, #tpu.memory_space<vmem>> -> memref<128xi32, #tpu.memory_space<vmem>>
      %dma_start3A_40 = arith.constant 0 : i32
      %dma_start3A_41 = arith.constant 0 : i32
      %dma_start3A_42 = tpu.memref_slice %arg2[%dma_start3A_40, %dma_start3A_41] : memref<20000x16xf32, #tpu.memory_space<hbm>> -> memref<20000x16xf32, #tpu.memory_space<hbm>>
      tpu.enqueue_indirect_dma source(%dma_start3A_42 : memref<20000x16xf32, #tpu.memory_space<hbm>>) target(%arg7 : memref<128x16xf32, #tpu.memory_space<vmem>>) offsets(%dma_start3A_39 : memref<128xi32, #tpu.memory_space<vmem>>) semaphore(%arg11 : memref<!tpu.dma_semaphore, #tpu.memory_space<semaphore_mem>>)
      %dma_wait3A = arith.constant 0 : i32
      %dma_wait3A_43 = arith.constant 0 : i32
      %dma_wait3A_44 = tpu.memref_slice %arg5[%dma_wait3A, %dma_wait3A_43] : memref<8x128xi32, #tpu.memory_space<vmem>> -> memref<1x128xi32, #tpu.memory_space<vmem>>
      %dma_wait3A_45 = tpu.memref_squeeze %dma_wait3A_44 : memref<1x128xi32, #tpu.memory_space<vmem>> -> memref<128xi32, #tpu.memory_space<vmem>>
      %dma_wait3A_46 = arith.constant 0 : i32
      %dma_wait3A_47 = arith.constant 0 : i32
      %dma_wait3A_48 = tpu.memref_slice %arg2[%dma_wait3A_46, %dma_wait3A_47] : memref<20000x16xf32, #tpu.memory_space<hbm>> -> memref<20000x16xf32, #tpu.memory_space<hbm>>
      tpu.wait_indirect_dma semaphore(%arg10 : memref<!tpu.dma_semaphore, #tpu.memory_space<semaphore_mem>>) src(%dma_wait3A_48 : memref<20000x16xf32, #tpu.memory_space<hbm>>) dst(%arg6 : memref<128x16xf32, #tpu.memory_space<vmem>>)
      %dma_start3A_49 = arith.constant 2 : i32
      %dma_start3A_50 = arith.constant 0 : i32
      %dma_start3A_51 = tpu.memref_slice %arg5[%dma_start3A_49, %dma_start3A_50] : memref<8x128xi32, #tpu.memory_space<vmem>> -> memref<1x128xi32, #tpu.memory_space<vmem>>
      %dma_start3A_52 = tpu.memref_squeeze %dma_start3A_51 : memref<1x128xi32, #tpu.memory_space<vmem>> -> memref<128xi32, #tpu.memory_space<vmem>>
      %dma_start3A_53 = arith.constant 0 : i32
      %dma_start3A_54 = arith.constant 0 : i32
      %dma_start3A_55 = tpu.memref_slice %arg2[%dma_start3A_53, %dma_start3A_54] : memref<20000x16xf32, #tpu.memory_space<hbm>> -> memref<20000x16xf32, #tpu.memory_space<hbm>>
      tpu.enqueue_indirect_dma source(%dma_start3A_55 : memref<20000x16xf32, #tpu.memory_space<hbm>>) target(%arg8 : memref<128x16xf32, #tpu.memory_space<vmem>>) offsets(%dma_start3A_52 : memref<128xi32, #tpu.memory_space<vmem>>) semaphore(%arg12 : memref<!tpu.dma_semaphore, #tpu.memory_space<semaphore_mem>>)
      %run_scoped3A = arith.constant 4 : i32
      "tpu.region"() ({
        %run_scoped3A_87 = tpu.sem_alloc : memref<!tpu.dma_semaphore, #tpu.memory_space<semaphore_mem>>
        %dma_start3A_88 = arith.constant 0 : i32
        %dma_start3A_89 = tpu.memref_slice %arg5[%run_scoped3A, %dma_start3A_88] : memref<8x128xi32, #tpu.memory_space<vmem>> -> memref<1x128xi32, #tpu.memory_space<vmem>>
        %dma_start3A_90 = tpu.memref_squeeze %dma_start3A_89 : memref<1x128xi32, #tpu.memory_space<vmem>> -> memref<128xi32, #tpu.memory_space<vmem>>
        %dma_start3A_91 = arith.constant 0 : i32
        %dma_start3A_92 = arith.constant 0 : i32
        %dma_start3A_93 = tpu.memref_slice %arg9[%dma_start3A_91, %dma_start3A_92] : memref<10008x16xf32, #tpu.memory_space<vmem_shared>> -> memref<10008x16xf32, #tpu.memory_space<vmem_shared>>
        tpu.enqueue_indirect_dma source(%arg6 : memref<128x16xf32, #tpu.memory_space<vmem>>) target(%dma_start3A_93 : memref<10008x16xf32, #tpu.memory_space<vmem_shared>>) offsets(%dma_start3A_90 : memref<128xi32, #tpu.memory_space<vmem>>) semaphore(%run_scoped3A_87 : memref<!tpu.dma_semaphore, #tpu.memory_space<semaphore_mem>>) {add = true}
        %dma_wait3A_94 = arith.constant 0 : i32
        %dma_wait3A_95 = tpu.memref_slice %arg5[%run_scoped3A, %dma_wait3A_94] : memref<8x128xi32, #tpu.memory_space<vmem>> -> memref<1x128xi32, #tpu.memory_space<vmem>>
        %dma_wait3A_96 = tpu.memref_squeeze %dma_wait3A_95 : memref<1x128xi32, #tpu.memory_space<vmem>> -> memref<128xi32, #tpu.memory_space<vmem>>
        %dma_wait3A_97 = arith.constant 0 : i32
        %dma_wait3A_98 = arith.constant 0 : i32
        %dma_wait3A_99 = tpu.memref_slice %arg9[%dma_wait3A_97, %dma_wait3A_98] : memref<10008x16xf32, #tpu.memory_space<vmem_shared>> -> memref<10008x16xf32, #tpu.memory_space<vmem_shared>>
        tpu.wait_indirect_dma semaphore(%run_scoped3A_87 : memref<!tpu.dma_semaphore, #tpu.memory_space<semaphore_mem>>) src(%arg6 : memref<128x16xf32, #tpu.memory_space<vmem>>) dst(%dma_wait3A_99 : memref<10008x16xf32, #tpu.memory_space<vmem_shared>>)
        tpu.yield
      }) : () -> ()
      %dma_wait3A_56 = arith.constant 1 : i32
      %dma_wait3A_57 = arith.constant 0 : i32
      %dma_wait3A_58 = tpu.memref_slice %arg5[%dma_wait3A_56, %dma_wait3A_57] : memref<8x128xi32, #tpu.memory_space<vmem>> -> memref<1x128xi32, #tpu.memory_space<vmem>>
      %dma_wait3A_59 = tpu.memref_squeeze %dma_wait3A_58 : memref<1x128xi32, #tpu.memory_space<vmem>> -> memref<128xi32, #tpu.memory_space<vmem>>
      %dma_wait3A_60 = arith.constant 0 : i32
      %dma_wait3A_61 = arith.constant 0 : i32
      %dma_wait3A_62 = tpu.memref_slice %arg2[%dma_wait3A_60, %dma_wait3A_61] : memref<20000x16xf32, #tpu.memory_space<hbm>> -> memref<20000x16xf32, #tpu.memory_space<hbm>>
      tpu.wait_indirect_dma semaphore(%arg11 : memref<!tpu.dma_semaphore, #tpu.memory_space<semaphore_mem>>) src(%dma_wait3A_62 : memref<20000x16xf32, #tpu.memory_space<hbm>>) dst(%arg7 : memref<128x16xf32, #tpu.memory_space<vmem>>)
      %dma_start3A_63 = arith.constant 3 : i32
      %dma_start3A_64 = arith.constant 0 : i32
      %dma_start3A_65 = tpu.memref_slice %arg5[%dma_start3A_63, %dma_start3A_64] : memref<8x128xi32, #tpu.memory_space<vmem>> -> memref<1x128xi32, #tpu.memory_space<vmem>>
      %dma_start3A_66 = tpu.memref_squeeze %dma_start3A_65 : memref<1x128xi32, #tpu.memory_space<vmem>> -> memref<128xi32, #tpu.memory_space<vmem>>
      %dma_start3A_67 = arith.constant 0 : i32
      %dma_start3A_68 = arith.constant 0 : i32
      %dma_start3A_69 = tpu.memref_slice %arg2[%dma_start3A_67, %dma_start3A_68] : memref<20000x16xf32, #tpu.memory_space<hbm>> -> memref<20000x16xf32, #tpu.memory_space<hbm>>
      tpu.enqueue_indirect_dma source(%dma_start3A_69 : memref<20000x16xf32, #tpu.memory_space<hbm>>) target(%arg6 : memref<128x16xf32, #tpu.memory_space<vmem>>) offsets(%dma_start3A_66 : memref<128xi32, #tpu.memory_space<vmem>>) semaphore(%arg10 : memref<!tpu.dma_semaphore, #tpu.memory_space<semaphore_mem>>)
      %run_scoped3A_70 = arith.constant 5 : i32
      "tpu.region"() ({
        %run_scoped3A_87 = tpu.sem_alloc : memref<!tpu.dma_semaphore, #tpu.memory_space<semaphore_mem>>
        %dma_start3A_88 = arith.constant 0 : i32
        %dma_start3A_89 = tpu.memref_slice %arg5[%run_scoped3A_70, %dma_start3A_88] : memref<8x128xi32, #tpu.memory_space<vmem>> -> memref<1x128xi32, #tpu.memory_space<vmem>>
        %dma_start3A_90 = tpu.memref_squeeze %dma_start3A_89 : memref<1x128xi32, #tpu.memory_space<vmem>> -> memref<128xi32, #tpu.memory_space<vmem>>
        %dma_start3A_91 = arith.constant 0 : i32
        %dma_start3A_92 = arith.constant 0 : i32
        %dma_start3A_93 = tpu.memref_slice %arg9[%dma_start3A_91, %dma_start3A_92] : memref<10008x16xf32, #tpu.memory_space<vmem_shared>> -> memref<10008x16xf32, #tpu.memory_space<vmem_shared>>
        tpu.enqueue_indirect_dma source(%arg7 : memref<128x16xf32, #tpu.memory_space<vmem>>) target(%dma_start3A_93 : memref<10008x16xf32, #tpu.memory_space<vmem_shared>>) offsets(%dma_start3A_90 : memref<128xi32, #tpu.memory_space<vmem>>) semaphore(%run_scoped3A_87 : memref<!tpu.dma_semaphore, #tpu.memory_space<semaphore_mem>>) {add = true}
        %dma_wait3A_94 = arith.constant 0 : i32
        %dma_wait3A_95 = tpu.memref_slice %arg5[%run_scoped3A_70, %dma_wait3A_94] : memref<8x128xi32, #tpu.memory_space<vmem>> -> memref<1x128xi32, #tpu.memory_space<vmem>>
        %dma_wait3A_96 = tpu.memref_squeeze %dma_wait3A_95 : memref<1x128xi32, #tpu.memory_space<vmem>> -> memref<128xi32, #tpu.memory_space<vmem>>
        %dma_wait3A_97 = arith.constant 0 : i32
        %dma_wait3A_98 = arith.constant 0 : i32
        %dma_wait3A_99 = tpu.memref_slice %arg9[%dma_wait3A_97, %dma_wait3A_98] : memref<10008x16xf32, #tpu.memory_space<vmem_shared>> -> memref<10008x16xf32, #tpu.memory_space<vmem_shared>>
        tpu.wait_indirect_dma semaphore(%run_scoped3A_87 : memref<!tpu.dma_semaphore, #tpu.memory_space<semaphore_mem>>) src(%arg7 : memref<128x16xf32, #tpu.memory_space<vmem>>) dst(%dma_wait3A_99 : memref<10008x16xf32, #tpu.memory_space<vmem_shared>>)
        tpu.yield
      }) : () -> ()
      %dma_wait3A_71 = arith.constant 2 : i32
      %dma_wait3A_72 = arith.constant 0 : i32
      %dma_wait3A_73 = tpu.memref_slice %arg5[%dma_wait3A_71, %dma_wait3A_72] : memref<8x128xi32, #tpu.memory_space<vmem>> -> memref<1x128xi32, #tpu.memory_space<vmem>>
      %dma_wait3A_74 = tpu.memref_squeeze %dma_wait3A_73 : memref<1x128xi32, #tpu.memory_space<vmem>> -> memref<128xi32, #tpu.memory_space<vmem>>
      %dma_wait3A_75 = arith.constant 0 : i32
      %dma_wait3A_76 = arith.constant 0 : i32
      %dma_wait3A_77 = tpu.memref_slice %arg2[%dma_wait3A_75, %dma_wait3A_76] : memref<20000x16xf32, #tpu.memory_space<hbm>> -> memref<20000x16xf32, #tpu.memory_space<hbm>>
      tpu.wait_indirect_dma semaphore(%arg12 : memref<!tpu.dma_semaphore, #tpu.memory_space<semaphore_mem>>) src(%dma_wait3A_77 : memref<20000x16xf32, #tpu.memory_space<hbm>>) dst(%arg8 : memref<128x16xf32, #tpu.memory_space<vmem>>)
      %run_scoped3A_78 = arith.constant 6 : i32
      "tpu.region"() ({
        %run_scoped3A_87 = tpu.sem_alloc : memref<!tpu.dma_semaphore, #tpu.memory_space<semaphore_mem>>
        %dma_start3A_88 = arith.constant 0 : i32
        %dma_start3A_89 = tpu.memref_slice %arg5[%run_scoped3A_78, %dma_start3A_88] : memref<8x128xi32, #tpu.memory_space<vmem>> -> memref<1x128xi32, #tpu.memory_space<vmem>>
        %dma_start3A_90 = tpu.memref_squeeze %dma_start3A_89 : memref<1x128xi32, #tpu.memory_space<vmem>> -> memref<128xi32, #tpu.memory_space<vmem>>
        %dma_start3A_91 = arith.constant 0 : i32
        %dma_start3A_92 = arith.constant 0 : i32
        %dma_start3A_93 = tpu.memref_slice %arg9[%dma_start3A_91, %dma_start3A_92] : memref<10008x16xf32, #tpu.memory_space<vmem_shared>> -> memref<10008x16xf32, #tpu.memory_space<vmem_shared>>
        tpu.enqueue_indirect_dma source(%arg8 : memref<128x16xf32, #tpu.memory_space<vmem>>) target(%dma_start3A_93 : memref<10008x16xf32, #tpu.memory_space<vmem_shared>>) offsets(%dma_start3A_90 : memref<128xi32, #tpu.memory_space<vmem>>) semaphore(%run_scoped3A_87 : memref<!tpu.dma_semaphore, #tpu.memory_space<semaphore_mem>>) {add = true}
        %dma_wait3A_94 = arith.constant 0 : i32
        %dma_wait3A_95 = tpu.memref_slice %arg5[%run_scoped3A_78, %dma_wait3A_94] : memref<8x128xi32, #tpu.memory_space<vmem>> -> memref<1x128xi32, #tpu.memory_space<vmem>>
        %dma_wait3A_96 = tpu.memref_squeeze %dma_wait3A_95 : memref<1x128xi32, #tpu.memory_space<vmem>> -> memref<128xi32, #tpu.memory_space<vmem>>
        %dma_wait3A_97 = arith.constant 0 : i32
        %dma_wait3A_98 = arith.constant 0 : i32
        %dma_wait3A_99 = tpu.memref_slice %arg9[%dma_wait3A_97, %dma_wait3A_98] : memref<10008x16xf32, #tpu.memory_space<vmem_shared>> -> memref<10008x16xf32, #tpu.memory_space<vmem_shared>>
        tpu.wait_indirect_dma semaphore(%run_scoped3A_87 : memref<!tpu.dma_semaphore, #tpu.memory_space<semaphore_mem>>) src(%arg8 : memref<128x16xf32, #tpu.memory_space<vmem>>) dst(%dma_wait3A_99 : memref<10008x16xf32, #tpu.memory_space<vmem_shared>>)
        tpu.yield
      }) : () -> ()
      %dma_wait3A_79 = arith.constant 3 : i32
      %dma_wait3A_80 = arith.constant 0 : i32
      %dma_wait3A_81 = tpu.memref_slice %arg5[%dma_wait3A_79, %dma_wait3A_80] : memref<8x128xi32, #tpu.memory_space<vmem>> -> memref<1x128xi32, #tpu.memory_space<vmem>>
      %dma_wait3A_82 = tpu.memref_squeeze %dma_wait3A_81 : memref<1x128xi32, #tpu.memory_space<vmem>> -> memref<128xi32, #tpu.memory_space<vmem>>
      %dma_wait3A_83 = arith.constant 0 : i32
      %dma_wait3A_84 = arith.constant 0 : i32
      %dma_wait3A_85 = tpu.memref_slice %arg2[%dma_wait3A_83, %dma_wait3A_84] : memref<20000x16xf32, #tpu.memory_space<hbm>> -> memref<20000x16xf32, #tpu.memory_space<hbm>>
      tpu.wait_indirect_dma semaphore(%arg10 : memref<!tpu.dma_semaphore, #tpu.memory_space<semaphore_mem>>) src(%dma_wait3A_85 : memref<20000x16xf32, #tpu.memory_space<hbm>>) dst(%arg6 : memref<128x16xf32, #tpu.memory_space<vmem>>)
      %run_scoped3A_86 = arith.constant 7 : i32
      "tpu.region"() ({
        %run_scoped3A_87 = tpu.sem_alloc : memref<!tpu.dma_semaphore, #tpu.memory_space<semaphore_mem>>
        %dma_start3A_88 = arith.constant 0 : i32
        %dma_start3A_89 = tpu.memref_slice %arg5[%run_scoped3A_86, %dma_start3A_88] : memref<8x128xi32, #tpu.memory_space<vmem>> -> memref<1x128xi32, #tpu.memory_space<vmem>>
        %dma_start3A_90 = tpu.memref_squeeze %dma_start3A_89 : memref<1x128xi32, #tpu.memory_space<vmem>> -> memref<128xi32, #tpu.memory_space<vmem>>
        %dma_start3A_91 = arith.constant 0 : i32
        %dma_start3A_92 = arith.constant 0 : i32
        %dma_start3A_93 = tpu.memref_slice %arg9[%dma_start3A_91, %dma_start3A_92] : memref<10008x16xf32, #tpu.memory_space<vmem_shared>> -> memref<10008x16xf32, #tpu.memory_space<vmem_shared>>
        tpu.enqueue_indirect_dma source(%arg6 : memref<128x16xf32, #tpu.memory_space<vmem>>) target(%dma_start3A_93 : memref<10008x16xf32, #tpu.memory_space<vmem_shared>>) offsets(%dma_start3A_90 : memref<128xi32, #tpu.memory_space<vmem>>) semaphore(%run_scoped3A_87 : memref<!tpu.dma_semaphore, #tpu.memory_space<semaphore_mem>>) {add = true}
        %dma_wait3A_94 = arith.constant 0 : i32
        %dma_wait3A_95 = tpu.memref_slice %arg5[%run_scoped3A_86, %dma_wait3A_94] : memref<8x128xi32, #tpu.memory_space<vmem>> -> memref<1x128xi32, #tpu.memory_space<vmem>>
        %dma_wait3A_96 = tpu.memref_squeeze %dma_wait3A_95 : memref<1x128xi32, #tpu.memory_space<vmem>> -> memref<128xi32, #tpu.memory_space<vmem>>
        %dma_wait3A_97 = arith.constant 0 : i32
        %dma_wait3A_98 = arith.constant 0 : i32
        %dma_wait3A_99 = tpu.memref_slice %arg9[%dma_wait3A_97, %dma_wait3A_98] : memref<10008x16xf32, #tpu.memory_space<vmem_shared>> -> memref<10008x16xf32, #tpu.memory_space<vmem_shared>>
        tpu.wait_indirect_dma semaphore(%run_scoped3A_87 : memref<!tpu.dma_semaphore, #tpu.memory_space<semaphore_mem>>) src(%arg6 : memref<128x16xf32, #tpu.memory_space<vmem>>) dst(%dma_wait3A_99 : memref<10008x16xf32, #tpu.memory_space<vmem_shared>>)
        tpu.yield
      }) : () -> ()
    }
    %scan3A_12 = arith.constant 20 : i32
    %barrier3A_13 = arith.constant 0 : index
    tpu.barrier barrier_id(%barrier3A_13)
    %mul3A_14 = arith.constant 624 : i32
    %mul3A_15 = arith.muli %arg1, %mul3A_14 : i32
    %eq3A_16 = arith.constant 15 : i32
    %eq3A_17 = arith.cmpi eq, %arg1, %eq3A_16 : i32
    %mul3A_18 = arith.constant 10000 : i32
    %mul3A_19 = arith.muli %arg0, %mul3A_18 : i32
    %add3A_20 = arith.addi %mul3A_19, %mul3A_15 : i32
    "tpu.region"() ({
      %run_scoped3A = tpu.sem_alloc : memref<!tpu.dma_semaphore, #tpu.memory_space<semaphore_mem>>
      %dma_start3A = arith.constant 0 : i32
      %dma_start3A_24 = tpu.memref_slice %arg4[%add3A_20, %dma_start3A] : memref<20000x16xf32, #tpu.memory_space<hbm>> -> memref<624x16xf32, #tpu.memory_space<hbm>>
      %dma_start3A_25 = arith.constant 0 : i32
      %dma_start3A_26 = tpu.memref_slice %arg9[%mul3A_15, %dma_start3A_25] : memref<10008x16xf32, #tpu.memory_space<vmem_shared>> -> memref<624x16xf32, #tpu.memory_space<vmem_shared>>
      tpu.enqueue_dma source(%dma_start3A_26 : memref<624x16xf32, #tpu.memory_space<vmem_shared>>) target(%dma_start3A_24 : memref<624x16xf32, #tpu.memory_space<hbm>>) target_semaphore(%run_scoped3A : memref<!tpu.dma_semaphore, #tpu.memory_space<semaphore_mem>>)
      %dma_wait3A = arith.constant 0 : i32
      %dma_wait3A_27 = tpu.memref_slice %arg4[%add3A_20, %dma_wait3A] : memref<20000x16xf32, #tpu.memory_space<hbm>> -> memref<624x16xf32, #tpu.memory_space<hbm>>
      %dma_wait3A_28 = arith.constant 0 : i32
      %dma_wait3A_29 = tpu.memref_slice %arg9[%mul3A_15, %dma_wait3A_28] : memref<10008x16xf32, #tpu.memory_space<vmem_shared>> -> memref<624x16xf32, #tpu.memory_space<vmem_shared>>
      tpu.wait_dma2 semaphore(%run_scoped3A : memref<!tpu.dma_semaphore, #tpu.memory_space<semaphore_mem>>) src(%dma_wait3A_29 : memref<624x16xf32, #tpu.memory_space<vmem_shared>>) dst(%dma_wait3A_27 : memref<624x16xf32, #tpu.memory_space<hbm>>)
      tpu.yield
    }) : () -> ()
    %convert_element_type3A_21 = arith.extui %eq3A_17 : i1 to i32
    %cond3A_22 = arith.constant 0 : i32
    %cond3A_23 = arith.cmpi ne, %convert_element_type3A_21, %cond3A_22 : i32
    scf.if %cond3A_23 {
      %mul3A_24 = arith.constant 10000 : i32
      %mul3A_25 = arith.muli %arg0, %mul3A_24 : i32
      %add3A_26 = arith.constant 9984 : i32
      %add3A_27 = arith.addi %mul3A_25, %add3A_26 : i32
      "tpu.region"() ({
        %run_scoped3A = tpu.sem_alloc : memref<!tpu.dma_semaphore, #tpu.memory_space<semaphore_mem>>
        %dma_start3A = arith.constant 0 : i32
        %dma_start3A_28 = tpu.memref_slice %arg4[%add3A_27, %dma_start3A] : memref<20000x16xf32, #tpu.memory_space<hbm>> -> memref<16x16xf32, #tpu.memory_space<hbm>>
        %dma_start3A_29 = arith.constant 9984 : i32
        %dma_start3A_30 = arith.constant 0 : i32
        %dma_start3A_31 = tpu.memref_slice %arg9[%dma_start3A_29, %dma_start3A_30] : memref<10008x16xf32, #tpu.memory_space<vmem_shared>> -> memref<16x16xf32, #tpu.memory_space<vmem_shared>>
        tpu.enqueue_dma source(%dma_start3A_31 : memref<16x16xf32, #tpu.memory_space<vmem_shared>>) target(%dma_start3A_28 : memref<16x16xf32, #tpu.memory_space<hbm>>) target_semaphore(%run_scoped3A : memref<!tpu.dma_semaphore, #tpu.memory_space<semaphore_mem>>)
        %dma_wait3A = arith.constant 0 : i32
        %dma_wait3A_32 = tpu.memref_slice %arg4[%add3A_27, %dma_wait3A] : memref<20000x16xf32, #tpu.memory_space<hbm>> -> memref<16x16xf32, #tpu.memory_space<hbm>>
        %dma_wait3A_33 = arith.constant 9984 : i32
        %dma_wait3A_34 = arith.constant 0 : i32
        %dma_wait3A_35 = tpu.memref_slice %arg9[%dma_wait3A_33, %dma_wait3A_34] : memref<10008x16xf32, #tpu.memory_space<vmem_shared>> -> memref<16x16xf32, #tpu.memory_space<vmem_shared>>
        tpu.wait_dma2 semaphore(%run_scoped3A : memref<!tpu.dma_semaphore, #tpu.memory_space<semaphore_mem>>) src(%dma_wait3A_35 : memref<16x16xf32, #tpu.memory_space<vmem_shared>>) dst(%dma_wait3A_32 : memref<16x16xf32, #tpu.memory_space<hbm>>)
        tpu.yield
      }) : () -> ()
    } else {
    }
    return
  }
}

#map = affine_map<(d0, d1) -> (0, 0)>
module attributes {stable_mosaic.version = 14 : i64} {
  func.func @_sc_agg_body(%arg0: i32, %arg1: i32, %arg2: memref<20000x128xf32, #tpu.memory_space<hbm>>, %arg3: memref<10240x128xi32, #tpu.memory_space<hbm>>, %arg4: memref<20000x128xf32, #tpu.memory_space<hbm>>, %arg5: memref<8x128xi32, #tpu.memory_space<vmem>>, %arg6: memref<128x128xf32, #tpu.memory_space<vmem>>, %arg7: memref<128x128xf32, #tpu.memory_space<vmem>>, %arg8: memref<128x128xf32, #tpu.memory_space<vmem>>, %arg9: memref<10008x128xf32, #tpu.memory_space<vmem_shared>>, %arg10: memref<!tpu.dma_semaphore, #tpu.memory_space<semaphore_mem>>, %arg11: memref<!tpu.dma_semaphore, #tpu.memory_space<semaphore_mem>>, %arg12: memref<!tpu.dma_semaphore, #tpu.memory_space<semaphore_mem>>) attributes {dimension_semantics = [#tpu.dimension_semantics<core_parallel>, #tpu.dimension_semantics<subcore_parallel>], iteration_bounds = array<i64: 2, 16>, scalar_prefetch = 0 : i64, scratch_operands = 8 : i64, tpu.core_type = #tpu.core_type<sc_vector_subcore>, window_params = [{transform_indices = #map}, {transform_indices = #map}, {transform_indices = #map}]} {
    %mul3A = arith.constant 624 : i32
    %mul3A_0 = arith.muli %arg1, %mul3A : i32
    %eq3A = arith.constant 15 : i32
    %eq3A_1 = arith.cmpi eq, %arg1, %eq3A : i32
    %mul3A_2 = arith.constant 10000 : i32
    %mul3A_3 = arith.muli %arg0, %mul3A_2 : i32
    %add3A = arith.addi %mul3A_3, %mul3A_0 : i32
    "tpu.region"() ({
      %run_scoped3A = tpu.sem_alloc : memref<!tpu.dma_semaphore, #tpu.memory_space<semaphore_mem>>
      %dma_start3A = arith.constant 0 : i32
      %dma_start3A_24 = tpu.memref_slice %arg9[%mul3A_0, %dma_start3A] : memref<10008x128xf32, #tpu.memory_space<vmem_shared>> -> memref<624x128xf32, #tpu.memory_space<vmem_shared>>
      %dma_start3A_25 = arith.constant 0 : i32
      %dma_start3A_26 = tpu.memref_slice %arg2[%add3A, %dma_start3A_25] : memref<20000x128xf32, #tpu.memory_space<hbm>> -> memref<624x128xf32, #tpu.memory_space<hbm>>
      tpu.enqueue_dma source(%dma_start3A_26 : memref<624x128xf32, #tpu.memory_space<hbm>>) target(%dma_start3A_24 : memref<624x128xf32, #tpu.memory_space<vmem_shared>>) target_semaphore(%run_scoped3A : memref<!tpu.dma_semaphore, #tpu.memory_space<semaphore_mem>>)
      %dma_wait3A = arith.constant 0 : i32
      %dma_wait3A_27 = tpu.memref_slice %arg9[%mul3A_0, %dma_wait3A] : memref<10008x128xf32, #tpu.memory_space<vmem_shared>> -> memref<624x128xf32, #tpu.memory_space<vmem_shared>>
      %dma_wait3A_28 = arith.constant 0 : i32
      %dma_wait3A_29 = tpu.memref_slice %arg2[%add3A, %dma_wait3A_28] : memref<20000x128xf32, #tpu.memory_space<hbm>> -> memref<624x128xf32, #tpu.memory_space<hbm>>
      tpu.wait_dma2 semaphore(%run_scoped3A : memref<!tpu.dma_semaphore, #tpu.memory_space<semaphore_mem>>) src(%dma_wait3A_29 : memref<624x128xf32, #tpu.memory_space<hbm>>) dst(%dma_wait3A_27 : memref<624x128xf32, #tpu.memory_space<vmem_shared>>)
      tpu.yield
    }) : () -> ()
    %convert_element_type3A = arith.extui %eq3A_1 : i1 to i32
    %cond3A = arith.constant 0 : i32
    %cond3A_4 = arith.cmpi ne, %convert_element_type3A, %cond3A : i32
    scf.if %cond3A_4 {
      %mul3A_24 = arith.constant 10000 : i32
      %mul3A_25 = arith.muli %arg0, %mul3A_24 : i32
      %add3A_26 = arith.constant 9984 : i32
      %add3A_27 = arith.addi %mul3A_25, %add3A_26 : i32
      "tpu.region"() ({
        %run_scoped3A = tpu.sem_alloc : memref<!tpu.dma_semaphore, #tpu.memory_space<semaphore_mem>>
        %dma_start3A = arith.constant 9984 : i32
        %dma_start3A_28 = arith.constant 0 : i32
        %dma_start3A_29 = tpu.memref_slice %arg9[%dma_start3A, %dma_start3A_28] : memref<10008x128xf32, #tpu.memory_space<vmem_shared>> -> memref<16x128xf32, #tpu.memory_space<vmem_shared>>
        %dma_start3A_30 = arith.constant 0 : i32
        %dma_start3A_31 = tpu.memref_slice %arg2[%add3A_27, %dma_start3A_30] : memref<20000x128xf32, #tpu.memory_space<hbm>> -> memref<16x128xf32, #tpu.memory_space<hbm>>
        tpu.enqueue_dma source(%dma_start3A_31 : memref<16x128xf32, #tpu.memory_space<hbm>>) target(%dma_start3A_29 : memref<16x128xf32, #tpu.memory_space<vmem_shared>>) target_semaphore(%run_scoped3A : memref<!tpu.dma_semaphore, #tpu.memory_space<semaphore_mem>>)
        %dma_wait3A = arith.constant 9984 : i32
        %dma_wait3A_32 = arith.constant 0 : i32
        %dma_wait3A_33 = tpu.memref_slice %arg9[%dma_wait3A, %dma_wait3A_32] : memref<10008x128xf32, #tpu.memory_space<vmem_shared>> -> memref<16x128xf32, #tpu.memory_space<vmem_shared>>
        %dma_wait3A_34 = arith.constant 0 : i32
        %dma_wait3A_35 = tpu.memref_slice %arg2[%add3A_27, %dma_wait3A_34] : memref<20000x128xf32, #tpu.memory_space<hbm>> -> memref<16x128xf32, #tpu.memory_space<hbm>>
        tpu.wait_dma2 semaphore(%run_scoped3A : memref<!tpu.dma_semaphore, #tpu.memory_space<semaphore_mem>>) src(%dma_wait3A_35 : memref<16x128xf32, #tpu.memory_space<hbm>>) dst(%dma_wait3A_33 : memref<16x128xf32, #tpu.memory_space<vmem_shared>>)
        tpu.yield
      }) : () -> ()
    } else {
    }
    %barrier3A = arith.constant 0 : index
    tpu.barrier barrier_id(%barrier3A)
    %mul3A_5 = arith.constant 16 : i32
    %mul3A_6 = arith.muli %arg0, %mul3A_5 : i32
    %add3A_7 = arith.addi %mul3A_6, %arg1 : i32
    %scan3A = arith.constant 0 : i32
    %scan3A_8 = arith.constant 0 : i32
    %scan3A_9 = arith.constant 40 : i32
    %scan3A_10 = arith.addi %scan3A_8, %scan3A_9 : i32
    %scan3A_11 = arith.constant 1 : i32
    scf.for %scan3A_24 = %scan3A_8 to %scan3A_10 step %scan3A_11  : i32 {
      %mul3A_25 = arith.constant 40 : i32
      %mul3A_26 = arith.muli %add3A_7, %mul3A_25 : i32
      %add3A_27 = arith.addi %mul3A_26, %scan3A_24 : i32
      %mul3A_28 = arith.constant 8 : i32
      %mul3A_29 = arith.muli %add3A_27, %mul3A_28 : i32
      "tpu.region"() ({
        %run_scoped3A_87 = tpu.sem_alloc : memref<!tpu.dma_semaphore, #tpu.memory_space<semaphore_mem>>
        %dma_start3A_88 = arith.constant 0 : i32
        %dma_start3A_89 = tpu.memref_slice %arg3[%mul3A_29, %dma_start3A_88] : memref<10240x128xi32, #tpu.memory_space<hbm>> -> memref<8x128xi32, #tpu.memory_space<hbm>>
        %dma_start3A_90 = arith.constant 0 : i32
        %dma_start3A_91 = tpu.memref_slice %arg3[%mul3A_29, %dma_start3A_90] : memref<10240x128xi32, #tpu.memory_space<hbm>> -> memref<8x128xi32, #tpu.memory_space<hbm>>
        tpu.enqueue_dma source(%dma_start3A_91 : memref<8x128xi32, #tpu.memory_space<hbm>>) target(%arg5 : memref<8x128xi32, #tpu.memory_space<vmem>>) target_semaphore(%run_scoped3A_87 : memref<!tpu.dma_semaphore, #tpu.memory_space<semaphore_mem>>)
        %dma_wait3A_92 = arith.constant 0 : i32
        %dma_wait3A_93 = tpu.memref_slice %arg3[%mul3A_29, %dma_wait3A_92] : memref<10240x128xi32, #tpu.memory_space<hbm>> -> memref<8x128xi32, #tpu.memory_space<hbm>>
        %dma_wait3A_94 = arith.constant 0 : i32
        %dma_wait3A_95 = tpu.memref_slice %arg3[%mul3A_29, %dma_wait3A_94] : memref<10240x128xi32, #tpu.memory_space<hbm>> -> memref<8x128xi32, #tpu.memory_space<hbm>>
        tpu.wait_dma2 semaphore(%run_scoped3A_87 : memref<!tpu.dma_semaphore, #tpu.memory_space<semaphore_mem>>) src(%dma_wait3A_95 : memref<8x128xi32, #tpu.memory_space<hbm>>) dst(%arg5 : memref<8x128xi32, #tpu.memory_space<vmem>>)
        tpu.yield
      }) : () -> ()
      %dma_start3A = arith.constant 0 : i32
      %dma_start3A_30 = arith.constant 0 : i32
      %dma_start3A_31 = tpu.memref_slice %arg5[%dma_start3A, %dma_start3A_30] : memref<8x128xi32, #tpu.memory_space<vmem>> -> memref<1x128xi32, #tpu.memory_space<vmem>>
      %dma_start3A_32 = tpu.memref_squeeze %dma_start3A_31 : memref<1x128xi32, #tpu.memory_space<vmem>> -> memref<128xi32, #tpu.memory_space<vmem>>
      %dma_start3A_33 = arith.constant 0 : i32
      %dma_start3A_34 = arith.constant 0 : i32
      %dma_start3A_35 = tpu.memref_slice %arg2[%dma_start3A_33, %dma_start3A_34] : memref<20000x128xf32, #tpu.memory_space<hbm>> -> memref<20000x128xf32, #tpu.memory_space<hbm>>
      tpu.enqueue_indirect_dma source(%dma_start3A_35 : memref<20000x128xf32, #tpu.memory_space<hbm>>) target(%arg6 : memref<128x128xf32, #tpu.memory_space<vmem>>) offsets(%dma_start3A_32 : memref<128xi32, #tpu.memory_space<vmem>>) semaphore(%arg10 : memref<!tpu.dma_semaphore, #tpu.memory_space<semaphore_mem>>)
      %dma_start3A_36 = arith.constant 1 : i32
      %dma_start3A_37 = arith.constant 0 : i32
      %dma_start3A_38 = tpu.memref_slice %arg5[%dma_start3A_36, %dma_start3A_37] : memref<8x128xi32, #tpu.memory_space<vmem>> -> memref<1x128xi32, #tpu.memory_space<vmem>>
      %dma_start3A_39 = tpu.memref_squeeze %dma_start3A_38 : memref<1x128xi32, #tpu.memory_space<vmem>> -> memref<128xi32, #tpu.memory_space<vmem>>
      %dma_start3A_40 = arith.constant 0 : i32
      %dma_start3A_41 = arith.constant 0 : i32
      %dma_start3A_42 = tpu.memref_slice %arg2[%dma_start3A_40, %dma_start3A_41] : memref<20000x128xf32, #tpu.memory_space<hbm>> -> memref<20000x128xf32, #tpu.memory_space<hbm>>
      tpu.enqueue_indirect_dma source(%dma_start3A_42 : memref<20000x128xf32, #tpu.memory_space<hbm>>) target(%arg7 : memref<128x128xf32, #tpu.memory_space<vmem>>) offsets(%dma_start3A_39 : memref<128xi32, #tpu.memory_space<vmem>>) semaphore(%arg11 : memref<!tpu.dma_semaphore, #tpu.memory_space<semaphore_mem>>)
      %dma_wait3A = arith.constant 0 : i32
      %dma_wait3A_43 = arith.constant 0 : i32
      %dma_wait3A_44 = tpu.memref_slice %arg5[%dma_wait3A, %dma_wait3A_43] : memref<8x128xi32, #tpu.memory_space<vmem>> -> memref<1x128xi32, #tpu.memory_space<vmem>>
      %dma_wait3A_45 = tpu.memref_squeeze %dma_wait3A_44 : memref<1x128xi32, #tpu.memory_space<vmem>> -> memref<128xi32, #tpu.memory_space<vmem>>
      %dma_wait3A_46 = arith.constant 0 : i32
      %dma_wait3A_47 = arith.constant 0 : i32
      %dma_wait3A_48 = tpu.memref_slice %arg2[%dma_wait3A_46, %dma_wait3A_47] : memref<20000x128xf32, #tpu.memory_space<hbm>> -> memref<20000x128xf32, #tpu.memory_space<hbm>>
      tpu.wait_indirect_dma semaphore(%arg10 : memref<!tpu.dma_semaphore, #tpu.memory_space<semaphore_mem>>) src(%dma_wait3A_48 : memref<20000x128xf32, #tpu.memory_space<hbm>>) dst(%arg6 : memref<128x128xf32, #tpu.memory_space<vmem>>)
      %dma_start3A_49 = arith.constant 2 : i32
      %dma_start3A_50 = arith.constant 0 : i32
      %dma_start3A_51 = tpu.memref_slice %arg5[%dma_start3A_49, %dma_start3A_50] : memref<8x128xi32, #tpu.memory_space<vmem>> -> memref<1x128xi32, #tpu.memory_space<vmem>>
      %dma_start3A_52 = tpu.memref_squeeze %dma_start3A_51 : memref<1x128xi32, #tpu.memory_space<vmem>> -> memref<128xi32, #tpu.memory_space<vmem>>
      %dma_start3A_53 = arith.constant 0 : i32
      %dma_start3A_54 = arith.constant 0 : i32
      %dma_start3A_55 = tpu.memref_slice %arg2[%dma_start3A_53, %dma_start3A_54] : memref<20000x128xf32, #tpu.memory_space<hbm>> -> memref<20000x128xf32, #tpu.memory_space<hbm>>
      tpu.enqueue_indirect_dma source(%dma_start3A_55 : memref<20000x128xf32, #tpu.memory_space<hbm>>) target(%arg8 : memref<128x128xf32, #tpu.memory_space<vmem>>) offsets(%dma_start3A_52 : memref<128xi32, #tpu.memory_space<vmem>>) semaphore(%arg12 : memref<!tpu.dma_semaphore, #tpu.memory_space<semaphore_mem>>)
      %run_scoped3A = arith.constant 4 : i32
      "tpu.region"() ({
        %run_scoped3A_87 = tpu.sem_alloc : memref<!tpu.dma_semaphore, #tpu.memory_space<semaphore_mem>>
        %dma_start3A_88 = arith.constant 0 : i32
        %dma_start3A_89 = tpu.memref_slice %arg5[%run_scoped3A, %dma_start3A_88] : memref<8x128xi32, #tpu.memory_space<vmem>> -> memref<1x128xi32, #tpu.memory_space<vmem>>
        %dma_start3A_90 = tpu.memref_squeeze %dma_start3A_89 : memref<1x128xi32, #tpu.memory_space<vmem>> -> memref<128xi32, #tpu.memory_space<vmem>>
        %dma_start3A_91 = arith.constant 0 : i32
        %dma_start3A_92 = arith.constant 0 : i32
        %dma_start3A_93 = tpu.memref_slice %arg9[%dma_start3A_91, %dma_start3A_92] : memref<10008x128xf32, #tpu.memory_space<vmem_shared>> -> memref<10008x128xf32, #tpu.memory_space<vmem_shared>>
        tpu.enqueue_indirect_dma source(%arg6 : memref<128x128xf32, #tpu.memory_space<vmem>>) target(%dma_start3A_93 : memref<10008x128xf32, #tpu.memory_space<vmem_shared>>) offsets(%dma_start3A_90 : memref<128xi32, #tpu.memory_space<vmem>>) semaphore(%run_scoped3A_87 : memref<!tpu.dma_semaphore, #tpu.memory_space<semaphore_mem>>) {add = true}
        %dma_wait3A_94 = arith.constant 0 : i32
        %dma_wait3A_95 = tpu.memref_slice %arg5[%run_scoped3A, %dma_wait3A_94] : memref<8x128xi32, #tpu.memory_space<vmem>> -> memref<1x128xi32, #tpu.memory_space<vmem>>
        %dma_wait3A_96 = tpu.memref_squeeze %dma_wait3A_95 : memref<1x128xi32, #tpu.memory_space<vmem>> -> memref<128xi32, #tpu.memory_space<vmem>>
        %dma_wait3A_97 = arith.constant 0 : i32
        %dma_wait3A_98 = arith.constant 0 : i32
        %dma_wait3A_99 = tpu.memref_slice %arg9[%dma_wait3A_97, %dma_wait3A_98] : memref<10008x128xf32, #tpu.memory_space<vmem_shared>> -> memref<10008x128xf32, #tpu.memory_space<vmem_shared>>
        tpu.wait_indirect_dma semaphore(%run_scoped3A_87 : memref<!tpu.dma_semaphore, #tpu.memory_space<semaphore_mem>>) src(%arg6 : memref<128x128xf32, #tpu.memory_space<vmem>>) dst(%dma_wait3A_99 : memref<10008x128xf32, #tpu.memory_space<vmem_shared>>)
        tpu.yield
      }) : () -> ()
      %dma_wait3A_56 = arith.constant 1 : i32
      %dma_wait3A_57 = arith.constant 0 : i32
      %dma_wait3A_58 = tpu.memref_slice %arg5[%dma_wait3A_56, %dma_wait3A_57] : memref<8x128xi32, #tpu.memory_space<vmem>> -> memref<1x128xi32, #tpu.memory_space<vmem>>
      %dma_wait3A_59 = tpu.memref_squeeze %dma_wait3A_58 : memref<1x128xi32, #tpu.memory_space<vmem>> -> memref<128xi32, #tpu.memory_space<vmem>>
      %dma_wait3A_60 = arith.constant 0 : i32
      %dma_wait3A_61 = arith.constant 0 : i32
      %dma_wait3A_62 = tpu.memref_slice %arg2[%dma_wait3A_60, %dma_wait3A_61] : memref<20000x128xf32, #tpu.memory_space<hbm>> -> memref<20000x128xf32, #tpu.memory_space<hbm>>
      tpu.wait_indirect_dma semaphore(%arg11 : memref<!tpu.dma_semaphore, #tpu.memory_space<semaphore_mem>>) src(%dma_wait3A_62 : memref<20000x128xf32, #tpu.memory_space<hbm>>) dst(%arg7 : memref<128x128xf32, #tpu.memory_space<vmem>>)
      %dma_start3A_63 = arith.constant 3 : i32
      %dma_start3A_64 = arith.constant 0 : i32
      %dma_start3A_65 = tpu.memref_slice %arg5[%dma_start3A_63, %dma_start3A_64] : memref<8x128xi32, #tpu.memory_space<vmem>> -> memref<1x128xi32, #tpu.memory_space<vmem>>
      %dma_start3A_66 = tpu.memref_squeeze %dma_start3A_65 : memref<1x128xi32, #tpu.memory_space<vmem>> -> memref<128xi32, #tpu.memory_space<vmem>>
      %dma_start3A_67 = arith.constant 0 : i32
      %dma_start3A_68 = arith.constant 0 : i32
      %dma_start3A_69 = tpu.memref_slice %arg2[%dma_start3A_67, %dma_start3A_68] : memref<20000x128xf32, #tpu.memory_space<hbm>> -> memref<20000x128xf32, #tpu.memory_space<hbm>>
      tpu.enqueue_indirect_dma source(%dma_start3A_69 : memref<20000x128xf32, #tpu.memory_space<hbm>>) target(%arg6 : memref<128x128xf32, #tpu.memory_space<vmem>>) offsets(%dma_start3A_66 : memref<128xi32, #tpu.memory_space<vmem>>) semaphore(%arg10 : memref<!tpu.dma_semaphore, #tpu.memory_space<semaphore_mem>>)
      %run_scoped3A_70 = arith.constant 5 : i32
      "tpu.region"() ({
        %run_scoped3A_87 = tpu.sem_alloc : memref<!tpu.dma_semaphore, #tpu.memory_space<semaphore_mem>>
        %dma_start3A_88 = arith.constant 0 : i32
        %dma_start3A_89 = tpu.memref_slice %arg5[%run_scoped3A_70, %dma_start3A_88] : memref<8x128xi32, #tpu.memory_space<vmem>> -> memref<1x128xi32, #tpu.memory_space<vmem>>
        %dma_start3A_90 = tpu.memref_squeeze %dma_start3A_89 : memref<1x128xi32, #tpu.memory_space<vmem>> -> memref<128xi32, #tpu.memory_space<vmem>>
        %dma_start3A_91 = arith.constant 0 : i32
        %dma_start3A_92 = arith.constant 0 : i32
        %dma_start3A_93 = tpu.memref_slice %arg9[%dma_start3A_91, %dma_start3A_92] : memref<10008x128xf32, #tpu.memory_space<vmem_shared>> -> memref<10008x128xf32, #tpu.memory_space<vmem_shared>>
        tpu.enqueue_indirect_dma source(%arg7 : memref<128x128xf32, #tpu.memory_space<vmem>>) target(%dma_start3A_93 : memref<10008x128xf32, #tpu.memory_space<vmem_shared>>) offsets(%dma_start3A_90 : memref<128xi32, #tpu.memory_space<vmem>>) semaphore(%run_scoped3A_87 : memref<!tpu.dma_semaphore, #tpu.memory_space<semaphore_mem>>) {add = true}
        %dma_wait3A_94 = arith.constant 0 : i32
        %dma_wait3A_95 = tpu.memref_slice %arg5[%run_scoped3A_70, %dma_wait3A_94] : memref<8x128xi32, #tpu.memory_space<vmem>> -> memref<1x128xi32, #tpu.memory_space<vmem>>
        %dma_wait3A_96 = tpu.memref_squeeze %dma_wait3A_95 : memref<1x128xi32, #tpu.memory_space<vmem>> -> memref<128xi32, #tpu.memory_space<vmem>>
        %dma_wait3A_97 = arith.constant 0 : i32
        %dma_wait3A_98 = arith.constant 0 : i32
        %dma_wait3A_99 = tpu.memref_slice %arg9[%dma_wait3A_97, %dma_wait3A_98] : memref<10008x128xf32, #tpu.memory_space<vmem_shared>> -> memref<10008x128xf32, #tpu.memory_space<vmem_shared>>
        tpu.wait_indirect_dma semaphore(%run_scoped3A_87 : memref<!tpu.dma_semaphore, #tpu.memory_space<semaphore_mem>>) src(%arg7 : memref<128x128xf32, #tpu.memory_space<vmem>>) dst(%dma_wait3A_99 : memref<10008x128xf32, #tpu.memory_space<vmem_shared>>)
        tpu.yield
      }) : () -> ()
      %dma_wait3A_71 = arith.constant 2 : i32
      %dma_wait3A_72 = arith.constant 0 : i32
      %dma_wait3A_73 = tpu.memref_slice %arg5[%dma_wait3A_71, %dma_wait3A_72] : memref<8x128xi32, #tpu.memory_space<vmem>> -> memref<1x128xi32, #tpu.memory_space<vmem>>
      %dma_wait3A_74 = tpu.memref_squeeze %dma_wait3A_73 : memref<1x128xi32, #tpu.memory_space<vmem>> -> memref<128xi32, #tpu.memory_space<vmem>>
      %dma_wait3A_75 = arith.constant 0 : i32
      %dma_wait3A_76 = arith.constant 0 : i32
      %dma_wait3A_77 = tpu.memref_slice %arg2[%dma_wait3A_75, %dma_wait3A_76] : memref<20000x128xf32, #tpu.memory_space<hbm>> -> memref<20000x128xf32, #tpu.memory_space<hbm>>
      tpu.wait_indirect_dma semaphore(%arg12 : memref<!tpu.dma_semaphore, #tpu.memory_space<semaphore_mem>>) src(%dma_wait3A_77 : memref<20000x128xf32, #tpu.memory_space<hbm>>) dst(%arg8 : memref<128x128xf32, #tpu.memory_space<vmem>>)
      %run_scoped3A_78 = arith.constant 6 : i32
      "tpu.region"() ({
        %run_scoped3A_87 = tpu.sem_alloc : memref<!tpu.dma_semaphore, #tpu.memory_space<semaphore_mem>>
        %dma_start3A_88 = arith.constant 0 : i32
        %dma_start3A_89 = tpu.memref_slice %arg5[%run_scoped3A_78, %dma_start3A_88] : memref<8x128xi32, #tpu.memory_space<vmem>> -> memref<1x128xi32, #tpu.memory_space<vmem>>
        %dma_start3A_90 = tpu.memref_squeeze %dma_start3A_89 : memref<1x128xi32, #tpu.memory_space<vmem>> -> memref<128xi32, #tpu.memory_space<vmem>>
        %dma_start3A_91 = arith.constant 0 : i32
        %dma_start3A_92 = arith.constant 0 : i32
        %dma_start3A_93 = tpu.memref_slice %arg9[%dma_start3A_91, %dma_start3A_92] : memref<10008x128xf32, #tpu.memory_space<vmem_shared>> -> memref<10008x128xf32, #tpu.memory_space<vmem_shared>>
        tpu.enqueue_indirect_dma source(%arg8 : memref<128x128xf32, #tpu.memory_space<vmem>>) target(%dma_start3A_93 : memref<10008x128xf32, #tpu.memory_space<vmem_shared>>) offsets(%dma_start3A_90 : memref<128xi32, #tpu.memory_space<vmem>>) semaphore(%run_scoped3A_87 : memref<!tpu.dma_semaphore, #tpu.memory_space<semaphore_mem>>) {add = true}
        %dma_wait3A_94 = arith.constant 0 : i32
        %dma_wait3A_95 = tpu.memref_slice %arg5[%run_scoped3A_78, %dma_wait3A_94] : memref<8x128xi32, #tpu.memory_space<vmem>> -> memref<1x128xi32, #tpu.memory_space<vmem>>
        %dma_wait3A_96 = tpu.memref_squeeze %dma_wait3A_95 : memref<1x128xi32, #tpu.memory_space<vmem>> -> memref<128xi32, #tpu.memory_space<vmem>>
        %dma_wait3A_97 = arith.constant 0 : i32
        %dma_wait3A_98 = arith.constant 0 : i32
        %dma_wait3A_99 = tpu.memref_slice %arg9[%dma_wait3A_97, %dma_wait3A_98] : memref<10008x128xf32, #tpu.memory_space<vmem_shared>> -> memref<10008x128xf32, #tpu.memory_space<vmem_shared>>
        tpu.wait_indirect_dma semaphore(%run_scoped3A_87 : memref<!tpu.dma_semaphore, #tpu.memory_space<semaphore_mem>>) src(%arg8 : memref<128x128xf32, #tpu.memory_space<vmem>>) dst(%dma_wait3A_99 : memref<10008x128xf32, #tpu.memory_space<vmem_shared>>)
        tpu.yield
      }) : () -> ()
      %dma_wait3A_79 = arith.constant 3 : i32
      %dma_wait3A_80 = arith.constant 0 : i32
      %dma_wait3A_81 = tpu.memref_slice %arg5[%dma_wait3A_79, %dma_wait3A_80] : memref<8x128xi32, #tpu.memory_space<vmem>> -> memref<1x128xi32, #tpu.memory_space<vmem>>
      %dma_wait3A_82 = tpu.memref_squeeze %dma_wait3A_81 : memref<1x128xi32, #tpu.memory_space<vmem>> -> memref<128xi32, #tpu.memory_space<vmem>>
      %dma_wait3A_83 = arith.constant 0 : i32
      %dma_wait3A_84 = arith.constant 0 : i32
      %dma_wait3A_85 = tpu.memref_slice %arg2[%dma_wait3A_83, %dma_wait3A_84] : memref<20000x128xf32, #tpu.memory_space<hbm>> -> memref<20000x128xf32, #tpu.memory_space<hbm>>
      tpu.wait_indirect_dma semaphore(%arg10 : memref<!tpu.dma_semaphore, #tpu.memory_space<semaphore_mem>>) src(%dma_wait3A_85 : memref<20000x128xf32, #tpu.memory_space<hbm>>) dst(%arg6 : memref<128x128xf32, #tpu.memory_space<vmem>>)
      %run_scoped3A_86 = arith.constant 7 : i32
      "tpu.region"() ({
        %run_scoped3A_87 = tpu.sem_alloc : memref<!tpu.dma_semaphore, #tpu.memory_space<semaphore_mem>>
        %dma_start3A_88 = arith.constant 0 : i32
        %dma_start3A_89 = tpu.memref_slice %arg5[%run_scoped3A_86, %dma_start3A_88] : memref<8x128xi32, #tpu.memory_space<vmem>> -> memref<1x128xi32, #tpu.memory_space<vmem>>
        %dma_start3A_90 = tpu.memref_squeeze %dma_start3A_89 : memref<1x128xi32, #tpu.memory_space<vmem>> -> memref<128xi32, #tpu.memory_space<vmem>>
        %dma_start3A_91 = arith.constant 0 : i32
        %dma_start3A_92 = arith.constant 0 : i32
        %dma_start3A_93 = tpu.memref_slice %arg9[%dma_start3A_91, %dma_start3A_92] : memref<10008x128xf32, #tpu.memory_space<vmem_shared>> -> memref<10008x128xf32, #tpu.memory_space<vmem_shared>>
        tpu.enqueue_indirect_dma source(%arg6 : memref<128x128xf32, #tpu.memory_space<vmem>>) target(%dma_start3A_93 : memref<10008x128xf32, #tpu.memory_space<vmem_shared>>) offsets(%dma_start3A_90 : memref<128xi32, #tpu.memory_space<vmem>>) semaphore(%run_scoped3A_87 : memref<!tpu.dma_semaphore, #tpu.memory_space<semaphore_mem>>) {add = true}
        %dma_wait3A_94 = arith.constant 0 : i32
        %dma_wait3A_95 = tpu.memref_slice %arg5[%run_scoped3A_86, %dma_wait3A_94] : memref<8x128xi32, #tpu.memory_space<vmem>> -> memref<1x128xi32, #tpu.memory_space<vmem>>
        %dma_wait3A_96 = tpu.memref_squeeze %dma_wait3A_95 : memref<1x128xi32, #tpu.memory_space<vmem>> -> memref<128xi32, #tpu.memory_space<vmem>>
        %dma_wait3A_97 = arith.constant 0 : i32
        %dma_wait3A_98 = arith.constant 0 : i32
        %dma_wait3A_99 = tpu.memref_slice %arg9[%dma_wait3A_97, %dma_wait3A_98] : memref<10008x128xf32, #tpu.memory_space<vmem_shared>> -> memref<10008x128xf32, #tpu.memory_space<vmem_shared>>
        tpu.wait_indirect_dma semaphore(%run_scoped3A_87 : memref<!tpu.dma_semaphore, #tpu.memory_space<semaphore_mem>>) src(%arg6 : memref<128x128xf32, #tpu.memory_space<vmem>>) dst(%dma_wait3A_99 : memref<10008x128xf32, #tpu.memory_space<vmem_shared>>)
        tpu.yield
      }) : () -> ()
    }
    %scan3A_12 = arith.constant 40 : i32
    %barrier3A_13 = arith.constant 0 : index
    tpu.barrier barrier_id(%barrier3A_13)
    %mul3A_14 = arith.constant 624 : i32
    %mul3A_15 = arith.muli %arg1, %mul3A_14 : i32
    %eq3A_16 = arith.constant 15 : i32
    %eq3A_17 = arith.cmpi eq, %arg1, %eq3A_16 : i32
    %mul3A_18 = arith.constant 10000 : i32
    %mul3A_19 = arith.muli %arg0, %mul3A_18 : i32
    %add3A_20 = arith.addi %mul3A_19, %mul3A_15 : i32
    "tpu.region"() ({
      %run_scoped3A = tpu.sem_alloc : memref<!tpu.dma_semaphore, #tpu.memory_space<semaphore_mem>>
      %dma_start3A = arith.constant 0 : i32
      %dma_start3A_24 = tpu.memref_slice %arg4[%add3A_20, %dma_start3A] : memref<20000x128xf32, #tpu.memory_space<hbm>> -> memref<624x128xf32, #tpu.memory_space<hbm>>
      %dma_start3A_25 = arith.constant 0 : i32
      %dma_start3A_26 = tpu.memref_slice %arg9[%mul3A_15, %dma_start3A_25] : memref<10008x128xf32, #tpu.memory_space<vmem_shared>> -> memref<624x128xf32, #tpu.memory_space<vmem_shared>>
      tpu.enqueue_dma source(%dma_start3A_26 : memref<624x128xf32, #tpu.memory_space<vmem_shared>>) target(%dma_start3A_24 : memref<624x128xf32, #tpu.memory_space<hbm>>) target_semaphore(%run_scoped3A : memref<!tpu.dma_semaphore, #tpu.memory_space<semaphore_mem>>)
      %dma_wait3A = arith.constant 0 : i32
      %dma_wait3A_27 = tpu.memref_slice %arg4[%add3A_20, %dma_wait3A] : memref<20000x128xf32, #tpu.memory_space<hbm>> -> memref<624x128xf32, #tpu.memory_space<hbm>>
      %dma_wait3A_28 = arith.constant 0 : i32
      %dma_wait3A_29 = tpu.memref_slice %arg9[%mul3A_15, %dma_wait3A_28] : memref<10008x128xf32, #tpu.memory_space<vmem_shared>> -> memref<624x128xf32, #tpu.memory_space<vmem_shared>>
      tpu.wait_dma2 semaphore(%run_scoped3A : memref<!tpu.dma_semaphore, #tpu.memory_space<semaphore_mem>>) src(%dma_wait3A_29 : memref<624x128xf32, #tpu.memory_space<vmem_shared>>) dst(%dma_wait3A_27 : memref<624x128xf32, #tpu.memory_space<hbm>>)
      tpu.yield
    }) : () -> ()
    %convert_element_type3A_21 = arith.extui %eq3A_17 : i1 to i32
    %cond3A_22 = arith.constant 0 : i32
    %cond3A_23 = arith.cmpi ne, %convert_element_type3A_21, %cond3A_22 : i32
    scf.if %cond3A_23 {
      %mul3A_24 = arith.constant 10000 : i32
      %mul3A_25 = arith.muli %arg0, %mul3A_24 : i32
      %add3A_26 = arith.constant 9984 : i32
      %add3A_27 = arith.addi %mul3A_25, %add3A_26 : i32
      "tpu.region"() ({
        %run_scoped3A = tpu.sem_alloc : memref<!tpu.dma_semaphore, #tpu.memory_space<semaphore_mem>>
        %dma_start3A = arith.constant 0 : i32
        %dma_start3A_28 = tpu.memref_slice %arg4[%add3A_27, %dma_start3A] : memref<20000x128xf32, #tpu.memory_space<hbm>> -> memref<16x128xf32, #tpu.memory_space<hbm>>
        %dma_start3A_29 = arith.constant 9984 : i32
        %dma_start3A_30 = arith.constant 0 : i32
        %dma_start3A_31 = tpu.memref_slice %arg9[%dma_start3A_29, %dma_start3A_30] : memref<10008x128xf32, #tpu.memory_space<vmem_shared>> -> memref<16x128xf32, #tpu.memory_space<vmem_shared>>
        tpu.enqueue_dma source(%dma_start3A_31 : memref<16x128xf32, #tpu.memory_space<vmem_shared>>) target(%dma_start3A_28 : memref<16x128xf32, #tpu.memory_space<hbm>>) target_semaphore(%run_scoped3A : memref<!tpu.dma_semaphore, #tpu.memory_space<semaphore_mem>>)
        %dma_wait3A = arith.constant 0 : i32
        %dma_wait3A_32 = tpu.memref_slice %arg4[%add3A_27, %dma_wait3A] : memref<20000x128xf32, #tpu.memory_space<hbm>> -> memref<16x128xf32, #tpu.memory_space<hbm>>
        %dma_wait3A_33 = arith.constant 9984 : i32
        %dma_wait3A_34 = arith.constant 0 : i32
        %dma_wait3A_35 = tpu.memref_slice %arg9[%dma_wait3A_33, %dma_wait3A_34] : memref<10008x128xf32, #tpu.memory_space<vmem_shared>> -> memref<16x128xf32, #tpu.memory_space<vmem_shared>>
        tpu.wait_dma2 semaphore(%run_scoped3A : memref<!tpu.dma_semaphore, #tpu.memory_space<semaphore_mem>>) src(%dma_wait3A_35 : memref<16x128xf32, #tpu.memory_space<vmem_shared>>) dst(%dma_wait3A_32 : memref<16x128xf32, #tpu.memory_space<hbm>>)
        tpu.yield
      }) : () -> ()
    } else {
    }
    return
  }
}

module attributes {stable_mosaic.version = 14 : i64} {
  func.func @_tc1_body(%arg0: i32, %arg1: memref<1000x128xf32, #tpu.memory_space<vmem>>, %arg2: memref<128x256xf32, #tpu.memory_space<vmem>>, %arg3: memref<1x256xf32, #tpu.memory_space<vmem>>, %arg4: memref<1x1xf32, #tpu.memory_space<vmem>>, %arg5: memref<2x1000x128xf32, #tpu.memory_space<vmem>>) attributes {dimension_semantics = [#tpu.dimension_semantics<arbitrary>], iteration_bounds = array<i64: 10>, scalar_prefetch = 0 : i64, scratch_operands = 0 : i64, tpu.core_type = #tpu.core_type<tc>, window_params = [{transform_indices = @transform_0, window_bounds = array<i64: 1000, 128>}, {pipeline_mode = #tpu.pipeline_mode<synchronous>, transform_indices = @transform_1, window_bounds = array<i64: 128, 256>}, {pipeline_mode = #tpu.pipeline_mode<synchronous>, transform_indices = @transform_2, window_bounds = array<i64: 1, 256>}, {pipeline_mode = #tpu.pipeline_mode<synchronous>, transform_indices = @transform_3, window_bounds = array<i64: 1, 1>}, {transform_indices = @transform_4, window_bounds = array<i64: 2, 1000, 128>}]} {
    %get3A = arith.constant 0 : index
    %get3A_0 = arith.constant 0 : index
    %get3A_1 = vector.load %arg1[%get3A, %get3A_0] : memref<1000x128xf32, #tpu.memory_space<vmem>>, vector<1000x128xf32>
    %get3A_2 = arith.constant 0 : index
    %get3A_3 = arith.constant 0 : index
    %get3A_4 = vector.load %arg2[%get3A_2, %get3A_3] : memref<128x256xf32, #tpu.memory_space<vmem>>, vector<128x256xf32>
    %dot_general3A = arith.constant dense<0.000000e+00> : vector<1000x256xf32>
    %dot_general3A_5 = tpu.matmul %get3A_1, %get3A_4, %dot_general3A {dimension_numbers = #tpu.dot_dimension_numbers<[1], [0], [0], [1], [0, 0, 1, 1], [], []>, transpose_lhs_hint = false} : vector<1000x128xf32>, vector<128x256xf32>, vector<1000x256xf32> -> vector<1000x256xf32>
    %get3A_6 = arith.constant 0 : index
    %get3A_7 = arith.constant 0 : index
    %get3A_8 = vector.load %arg3[%get3A_6, %get3A_7] : memref<1x256xf32, #tpu.memory_space<vmem>>, vector<1x256xf32>
    %add3A = vector.broadcast %get3A_8 : vector<1x256xf32> to vector<1000x256xf32>
    %add3A_9 = arith.addf %dot_general3A_5, %add3A : vector<1000x256xf32>
    %slice3A = vector.extract_strided_slice %add3A_9 {offsets = [0, 0], sizes = [1000, 1], strides = [1, 1]} : vector<1000x256xf32> to vector<1000x1xf32>
    %logistic3A = arith.negf %slice3A : vector<1000x1xf32>
    %logistic3A_10 = math.exp %logistic3A : vector<1000x1xf32>
    %logistic3A_11 = arith.constant 1.000000e+00 : f32
    %logistic3A_12 = vector.broadcast %logistic3A_11 : f32 to vector<1000x1xf32>
    %logistic3A_13 = arith.addf %logistic3A_12, %logistic3A_10 : vector<1000x1xf32>
    %logistic3A_14 = arith.divf %logistic3A_12, %logistic3A_13 : vector<1000x1xf32>
    %get3A_15 = arith.constant 0 : index
    %get3A_16 = arith.constant 0 : index
    %get3A_17 = vector.load %arg4[%get3A_15, %get3A_16] : memref<1x1xf32, #tpu.memory_space<vmem>>, vector<1x1xf32>
    %get3A_18 = vector.extract %get3A_17[0, 0] : f32 from vector<1x1xf32>
    %mul3A = vector.broadcast %get3A_18 : f32 to vector<1000x1xf32>
    %mul3A_19 = arith.mulf %logistic3A_14, %mul3A : vector<1000x1xf32>
    %add3A_20 = arith.constant 1.100000e+00 : f32
    %add3A_21 = vector.broadcast %add3A_20 : f32 to vector<1000x1xf32>
    %add3A_22 = arith.addf %mul3A_19, %add3A_21 : vector<1000x1xf32>
    %slice3A_23 = vector.extract_strided_slice %add3A_9 {offsets = [0, 1], sizes = [1000, 255], strides = [1, 1]} : vector<1000x256xf32> to vector<1000x255xf32>
    %mul3A_24 = arith.mulf %slice3A_23, %slice3A_23 : vector<1000x255xf32>
    %reduce_sum3A = arith.constant dense<0.000000e+00> : vector<1000xf32>
    %reduce_sum3A_25 = vector.multi_reduction <add>, %mul3A_24, %reduce_sum3A [1] : vector<1000x255xf32> to vector<1000xf32>
    %broadcast_in_dim3A = vector.shape_cast %reduce_sum3A_25 : vector<1000xf32> to vector<1000x1xf32>
    %jit3A = arith.constant 9.99999993E-9 : f32
    %max3A = vector.broadcast %jit3A : f32 to vector<1000x1xf32>
    %max3A_26 = arith.maximumf %max3A, %broadcast_in_dim3A : vector<1000x1xf32>
    %mul3A_27 = arith.mulf %add3A_22, %add3A_22 : vector<1000x1xf32>
    %sub3A = arith.constant 1.000000e+00 : f32
    %sub3A_28 = vector.broadcast %sub3A : f32 to vector<1000x1xf32>
    %sub3A_29 = arith.subf %mul3A_27, %sub3A_28 : vector<1000x1xf32>
    %div3A = arith.divf %sub3A_29, %max3A_26 : vector<1000x1xf32>
    %sqrt3A = math.sqrt %div3A : vector<1000x1xf32>
    %mul3A_30 = vector.broadcast %sqrt3A : vector<1000x1xf32> to vector<1000x255xf32>
    %mul3A_31 = arith.mulf %slice3A_23, %mul3A_30 : vector<1000x255xf32>
    %concatenate3A = tpu.concatenate %add3A_22, %mul3A_31 in 1 : vector<1000x1xf32>, vector<1000x255xf32> -> vector<1000x256xf32>
    %slice3A_32 = vector.extract_strided_slice %concatenate3A {offsets = [0, 0], sizes = [1000, 128], strides = [1, 1]} : vector<1000x256xf32> to vector<1000x128xf32>
    %swap3A = arith.constant 0 : index
    %swap3A_33 = arith.constant 0 : index
    %swap3A_34 = arith.constant 0 : index
    %swap3A_35 = vector.load %arg5[%swap3A, %swap3A_33, %swap3A_34] : memref<2x1000x128xf32, #tpu.memory_space<vmem>>, vector<1x1000x128xf32>
    %swap3A_36 = vector.shape_cast %swap3A_35 : vector<1x1000x128xf32> to vector<1000x128xf32>
    %swap3A_37 = vector.shape_cast %slice3A_32 : vector<1000x128xf32> to vector<1x1000x128xf32>
    tpu.vector_store %arg5[%swap3A, %swap3A_33, %swap3A_34], %swap3A_37 {strides = array<i32>} : memref<2x1000x128xf32, #tpu.memory_space<vmem>>, vector<1x1000x128xf32>,
    %slice3A_38 = vector.extract_strided_slice %concatenate3A {offsets = [0, 128], sizes = [1000, 128], strides = [1, 1]} : vector<1000x256xf32> to vector<1000x128xf32>
    %swap3A_39 = arith.constant 1 : index
    %swap3A_40 = arith.constant 0 : index
    %swap3A_41 = arith.constant 0 : index
    %swap3A_42 = vector.load %arg5[%swap3A_39, %swap3A_40, %swap3A_41] : memref<2x1000x128xf32, #tpu.memory_space<vmem>>, vector<1x1000x128xf32>
    %swap3A_43 = vector.shape_cast %swap3A_42 : vector<1x1000x128xf32> to vector<1000x128xf32>
    %swap3A_44 = vector.shape_cast %slice3A_38 : vector<1000x128xf32> to vector<1x1000x128xf32>
    tpu.vector_store %arg5[%swap3A_39, %swap3A_40, %swap3A_41], %swap3A_44 {strides = array<i32>} : memref<2x1000x128xf32, #tpu.memory_space<vmem>>, vector<1x1000x128xf32>,
    return
  }
  func.func @transform_0(%arg0: i32) -> (i32, i32) {
    %c0_i32 = arith.constant 0 : i32
    %c0_i32_0 = arith.constant 0 : i32
    return %arg0, %c0_i32 : i32, i32
  }
  func.func @transform_1(%arg0: i32) -> (i32, i32) {
    %c0_i32 = arith.constant 0 : i32
    %c0_i32_0 = arith.constant 0 : i32
    %c0_i32_1 = arith.constant 0 : i32
    return %c0_i32, %c0_i32_0 : i32, i32
  }
  func.func @transform_2(%arg0: i32) -> (i32, i32) {
    %c0_i32 = arith.constant 0 : i32
    %c0_i32_0 = arith.constant 0 : i32
    %c0_i32_1 = arith.constant 0 : i32
    return %c0_i32, %c0_i32_0 : i32, i32
  }
  func.func @transform_3(%arg0: i32) -> (i32, i32) {
    %c0_i32 = arith.constant 0 : i32
    %c0_i32_0 = arith.constant 0 : i32
    %c0_i32_1 = arith.constant 0 : i32
    return %c0_i32, %c0_i32_0 : i32, i32
  }
  func.func @transform_4(%arg0: i32) -> (i32, i32, i32) {
    %c0_i32 = arith.constant 0 : i32
    %c0_i32_0 = arith.constant 0 : i32
    %c0_i32_1 = arith.constant 0 : i32
    return %c0_i32, %arg0, %c0_i32_0 : i32, i32, i32
  }
}

module attributes {stable_mosaic.version = 14 : i64} {
  func.func @_tc2_body(%arg0: i32, %arg1: memref<1000x128xf32, #tpu.memory_space<vmem>>, %arg2: memref<1000x128xf32, #tpu.memory_space<vmem>>, %arg3: memref<256x128xf32, #tpu.memory_space<vmem>>, %arg4: memref<1x128xf32, #tpu.memory_space<vmem>>, %arg5: memref<1x1xf32, #tpu.memory_space<vmem>>, %arg6: memref<2x1000x16xf32, #tpu.memory_space<vmem>>) attributes {dimension_semantics = [#tpu.dimension_semantics<arbitrary>], iteration_bounds = array<i64: 10>, scalar_prefetch = 0 : i64, scratch_operands = 0 : i64, tpu.core_type = #tpu.core_type<tc>, window_params = [{transform_indices = @transform_0, window_bounds = array<i64: 1000, 128>}, {transform_indices = @transform_1, window_bounds = array<i64: 1000, 128>}, {pipeline_mode = #tpu.pipeline_mode<synchronous>, transform_indices = @transform_2, window_bounds = array<i64: 256, 128>}, {pipeline_mode = #tpu.pipeline_mode<synchronous>, transform_indices = @transform_3, window_bounds = array<i64: 1, 128>}, {pipeline_mode = #tpu.pipeline_mode<synchronous>, transform_indices = @transform_4, window_bounds = array<i64: 1, 1>}, {transform_indices = @transform_5, window_bounds = array<i64: 2, 1000, 16>}]} {
    %get3A = arith.constant 0 : index
    %get3A_0 = arith.constant 0 : index
    %get3A_1 = vector.load %arg1[%get3A, %get3A_0] : memref<1000x128xf32, #tpu.memory_space<vmem>>, vector<1000x128xf32>
    %get3A_2 = arith.constant 0 : index
    %get3A_3 = arith.constant 0 : index
    %get3A_4 = vector.load %arg2[%get3A_2, %get3A_3] : memref<1000x128xf32, #tpu.memory_space<vmem>>, vector<1000x128xf32>
    %concatenate3A = tpu.concatenate %get3A_1, %get3A_4 in 1 : vector<1000x128xf32>, vector<1000x128xf32> -> vector<1000x256xf32>
    %slice3A = vector.extract_strided_slice %concatenate3A {offsets = [0, 0], sizes = [1000, 1], strides = [1, 1]} : vector<1000x256xf32> to vector<1000x1xf32>
    %neg3A = arith.constant 0.000000e+00 : f32
    %neg3A_5 = vector.broadcast %neg3A : f32 to vector<1000x1xf32>
    %neg3A_6 = arith.subf %neg3A_5, %slice3A : vector<1000x1xf32>
    %slice3A_7 = vector.extract_strided_slice %concatenate3A {offsets = [0, 0], sizes = [1000, 1], strides = [1, 1]} : vector<1000x256xf32> to vector<1000x1xf32>
    %mul3A = arith.mulf %neg3A_6, %slice3A_7 : vector<1000x1xf32>
    %slice3A_8 = vector.extract_strided_slice %concatenate3A {offsets = [0, 1], sizes = [1000, 255], strides = [1, 1]} : vector<1000x256xf32> to vector<1000x255xf32>
    %slice3A_9 = vector.extract_strided_slice %concatenate3A {offsets = [0, 1], sizes = [1000, 255], strides = [1, 1]} : vector<1000x256xf32> to vector<1000x255xf32>
    %mul3A_10 = arith.mulf %slice3A_8, %slice3A_9 : vector<1000x255xf32>
    %reduce_sum3A = arith.constant dense<0.000000e+00> : vector<1000xf32>
    %reduce_sum3A_11 = vector.multi_reduction <add>, %mul3A_10, %reduce_sum3A [1] : vector<1000x255xf32> to vector<1000xf32>
    %broadcast_in_dim3A = vector.shape_cast %reduce_sum3A_11 : vector<1000xf32> to vector<1000x1xf32>
    %add3A = arith.addf %mul3A, %broadcast_in_dim3A : vector<1000x1xf32>
    %abs3A = math.absf %add3A : vector<1000x1xf32>
    %jit3A = arith.constant 9.99999993E-9 : f32
    %max3A = vector.broadcast %jit3A : f32 to vector<1000x1xf32>
    %max3A_12 = arith.maximumf %max3A, %abs3A : vector<1000x1xf32>
    %sqrt3A = math.sqrt %max3A_12 : vector<1000x1xf32>
    %div3A = vector.broadcast %sqrt3A : vector<1000x1xf32> to vector<1000x256xf32>
    %div3A_13 = arith.divf %concatenate3A, %div3A : vector<1000x256xf32>
    %max3A_14 = arith.constant 0.000000e+00 : f32
    %max3A_15 = vector.broadcast %max3A_14 : f32 to vector<1000x256xf32>
    %max3A_16 = arith.maximumf %div3A_13, %max3A_15 : vector<1000x256xf32>
    %get3A_17 = arith.constant 0 : index
    %get3A_18 = arith.constant 0 : index
    %get3A_19 = vector.load %arg3[%get3A_17, %get3A_18] : memref<256x128xf32, #tpu.memory_space<vmem>>, vector<256x128xf32>
    %dot_general3A = arith.constant dense<0.000000e+00> : vector<1000x128xf32>
    %dot_general3A_20 = tpu.matmul %max3A_16, %get3A_19, %dot_general3A {dimension_numbers = #tpu.dot_dimension_numbers<[1], [0], [0], [1], [0, 0, 1, 1], [], []>, transpose_lhs_hint = false} : vector<1000x256xf32>, vector<256x128xf32>, vector<1000x128xf32> -> vector<1000x128xf32>
    %get3A_21 = arith.constant 0 : index
    %get3A_22 = arith.constant 0 : index
    %get3A_23 = vector.load %arg4[%get3A_21, %get3A_22] : memref<1x128xf32, #tpu.memory_space<vmem>>, vector<1x128xf32>
    %add3A_24 = vector.broadcast %get3A_23 : vector<1x128xf32> to vector<1000x128xf32>
    %add3A_25 = arith.addf %dot_general3A_20, %add3A_24 : vector<1000x128xf32>
    %slice3A_26 = vector.extract_strided_slice %add3A_25 {offsets = [0, 0], sizes = [1000, 1], strides = [1, 1]} : vector<1000x128xf32> to vector<1000x1xf32>
    %logistic3A = arith.negf %slice3A_26 : vector<1000x1xf32>
    %logistic3A_27 = math.exp %logistic3A : vector<1000x1xf32>
    %logistic3A_28 = arith.constant 1.000000e+00 : f32
    %logistic3A_29 = vector.broadcast %logistic3A_28 : f32 to vector<1000x1xf32>
    %logistic3A_30 = arith.addf %logistic3A_29, %logistic3A_27 : vector<1000x1xf32>
    %logistic3A_31 = arith.divf %logistic3A_29, %logistic3A_30 : vector<1000x1xf32>
    %get3A_32 = arith.constant 0 : index
    %get3A_33 = arith.constant 0 : index
    %get3A_34 = vector.load %arg5[%get3A_32, %get3A_33] : memref<1x1xf32, #tpu.memory_space<vmem>>, vector<1x1xf32>
    %get3A_35 = vector.extract %get3A_34[0, 0] : f32 from vector<1x1xf32>
    %mul3A_36 = vector.broadcast %get3A_35 : f32 to vector<1000x1xf32>
    %mul3A_37 = arith.mulf %logistic3A_31, %mul3A_36 : vector<1000x1xf32>
    %add3A_38 = arith.constant 1.100000e+00 : f32
    %add3A_39 = vector.broadcast %add3A_38 : f32 to vector<1000x1xf32>
    %add3A_40 = arith.addf %mul3A_37, %add3A_39 : vector<1000x1xf32>
    %slice3A_41 = vector.extract_strided_slice %add3A_25 {offsets = [0, 1], sizes = [1000, 2], strides = [1, 1]} : vector<1000x128xf32> to vector<1000x2xf32>
    %mul3A_42 = arith.mulf %slice3A_41, %slice3A_41 : vector<1000x2xf32>
    %reduce_sum3A_43 = arith.constant dense<0.000000e+00> : vector<1000xf32>
    %reduce_sum3A_44 = vector.multi_reduction <add>, %mul3A_42, %reduce_sum3A_43 [1] : vector<1000x2xf32> to vector<1000xf32>
    %broadcast_in_dim3A_45 = vector.shape_cast %reduce_sum3A_44 : vector<1000xf32> to vector<1000x1xf32>
    %jit3A_46 = arith.constant 9.99999993E-9 : f32
    %max3A_47 = vector.broadcast %jit3A_46 : f32 to vector<1000x1xf32>
    %max3A_48 = arith.maximumf %max3A_47, %broadcast_in_dim3A_45 : vector<1000x1xf32>
    %mul3A_49 = arith.mulf %add3A_40, %add3A_40 : vector<1000x1xf32>
    %sub3A = arith.constant 1.000000e+00 : f32
    %sub3A_50 = vector.broadcast %sub3A : f32 to vector<1000x1xf32>
    %sub3A_51 = arith.subf %mul3A_49, %sub3A_50 : vector<1000x1xf32>
    %div3A_52 = arith.divf %sub3A_51, %max3A_48 : vector<1000x1xf32>
    %sqrt3A_53 = math.sqrt %div3A_52 : vector<1000x1xf32>
    %mul3A_54 = vector.broadcast %sqrt3A_53 : vector<1000x1xf32> to vector<1000x2xf32>
    %mul3A_55 = arith.mulf %slice3A_41, %mul3A_54 : vector<1000x2xf32>
    %broadcast_in_dim3A_56 = arith.constant 0.000000e+00 : f32
    %broadcast_in_dim3A_57 = vector.broadcast %broadcast_in_dim3A_56 : f32 to vector<1000x13xf32>
    %concatenate3A_58 = tpu.concatenate %add3A_40, %mul3A_55, %broadcast_in_dim3A_57 in 1 : vector<1000x1xf32>, vector<1000x2xf32>, vector<1000x13xf32> -> vector<1000x16xf32>
    %swap3A = arith.constant 0 : index
    %swap3A_59 = arith.constant 0 : index
    %swap3A_60 = arith.constant 0 : index
    %swap3A_61 = vector.load %arg6[%swap3A, %swap3A_59, %swap3A_60] : memref<2x1000x16xf32, #tpu.memory_space<vmem>>, vector<1x1000x16xf32>
    %swap3A_62 = vector.shape_cast %swap3A_61 : vector<1x1000x16xf32> to vector<1000x16xf32>
    %swap3A_63 = vector.shape_cast %concatenate3A_58 : vector<1000x16xf32> to vector<1x1000x16xf32>
    tpu.vector_store %arg6[%swap3A, %swap3A_59, %swap3A_60], %swap3A_63 {strides = array<i32>} : memref<2x1000x16xf32, #tpu.memory_space<vmem>>, vector<1x1000x16xf32>,
    %broadcast_in_dim3A_64 = arith.constant 0.000000e+00 : f32
    %broadcast_in_dim3A_65 = vector.broadcast %broadcast_in_dim3A_64 : f32 to vector<1000x16xf32>
    %swap3A_66 = arith.constant 1 : index
    %swap3A_67 = arith.constant 0 : index
    %swap3A_68 = arith.constant 0 : index
    %swap3A_69 = vector.load %arg6[%swap3A_66, %swap3A_67, %swap3A_68] : memref<2x1000x16xf32, #tpu.memory_space<vmem>>, vector<1x1000x16xf32>
    %swap3A_70 = vector.shape_cast %swap3A_69 : vector<1x1000x16xf32> to vector<1000x16xf32>
    %swap3A_71 = vector.shape_cast %broadcast_in_dim3A_65 : vector<1000x16xf32> to vector<1x1000x16xf32>
    tpu.vector_store %arg6[%swap3A_66, %swap3A_67, %swap3A_68], %swap3A_71 {strides = array<i32>} : memref<2x1000x16xf32, #tpu.memory_space<vmem>>, vector<1x1000x16xf32>,
    return
  }
  func.func @transform_0(%arg0: i32) -> (i32, i32) {
    %c0_i32 = arith.constant 0 : i32
    %c0_i32_0 = arith.constant 0 : i32
    return %arg0, %c0_i32 : i32, i32
  }
  func.func @transform_1(%arg0: i32) -> (i32, i32) {
    %add3A = arith.constant 10 : i32
    %add3A_0 = arith.addi %add3A, %arg0 : i32
    %c0_i32 = arith.constant 0 : i32
    %c0_i32_1 = arith.constant 0 : i32
    return %add3A_0, %c0_i32 : i32, i32
  }
  func.func @transform_2(%arg0: i32) -> (i32, i32) {
    %c0_i32 = arith.constant 0 : i32
    %c0_i32_0 = arith.constant 0 : i32
    %c0_i32_1 = arith.constant 0 : i32
    return %c0_i32, %c0_i32_0 : i32, i32
  }
  func.func @transform_3(%arg0: i32) -> (i32, i32) {
    %c0_i32 = arith.constant 0 : i32
    %c0_i32_0 = arith.constant 0 : i32
    %c0_i32_1 = arith.constant 0 : i32
    return %c0_i32, %c0_i32_0 : i32, i32
  }
  func.func @transform_4(%arg0: i32) -> (i32, i32) {
    %c0_i32 = arith.constant 0 : i32
    %c0_i32_0 = arith.constant 0 : i32
    %c0_i32_1 = arith.constant 0 : i32
    return %c0_i32, %c0_i32_0 : i32, i32
  }
  func.func @transform_5(%arg0: i32) -> (i32, i32, i32) {
    %c0_i32 = arith.constant 0 : i32
    %c0_i32_0 = arith.constant 0 : i32
    %c0_i32_1 = arith.constant 0 : i32
    return %c0_i32, %arg0, %c0_i32_0 : i32, i32, i32
  }
}

module attributes {stable_mosaic.version = 14 : i64} {
  func.func @_tc3_body(%arg0: i32, %arg1: memref<1000x16xf32, #tpu.memory_space<vmem>>, %arg2: memref<1000x16xf32, #tpu.memory_space<vmem>>, %arg3: memref<1x1xf32, #tpu.memory_space<vmem>>, %arg4: memref<1000x128xf32, #tpu.memory_space<vmem>>) attributes {dimension_semantics = [#tpu.dimension_semantics<arbitrary>], iteration_bounds = array<i64: 10>, scalar_prefetch = 0 : i64, scratch_operands = 0 : i64, tpu.core_type = #tpu.core_type<tc>, window_params = [{transform_indices = @transform_0, window_bounds = array<i64: 1000, 16>}, {transform_indices = @transform_1, window_bounds = array<i64: 1000, 16>}, {pipeline_mode = #tpu.pipeline_mode<synchronous>, transform_indices = @transform_2, window_bounds = array<i64: 1, 1>}, {transform_indices = @transform_3, window_bounds = array<i64: 1000, 128>}]} {
    %get3A = arith.constant 0 : index
    %get3A_0 = arith.constant 0 : index
    %get3A_1 = vector.load %arg1[%get3A, %get3A_0] : memref<1000x16xf32, #tpu.memory_space<vmem>>, vector<1000x16xf32>
    %get3A_2 = arith.constant 0 : index
    %get3A_3 = arith.constant 0 : index
    %get3A_4 = vector.load %arg2[%get3A_2, %get3A_3] : memref<1000x16xf32, #tpu.memory_space<vmem>>, vector<1000x16xf32>
    %add3A = arith.addf %get3A_1, %get3A_4 : vector<1000x16xf32>
    %slice3A = vector.extract_strided_slice %add3A {offsets = [0, 0], sizes = [1000, 1], strides = [1, 1]} : vector<1000x16xf32> to vector<1000x1xf32>
    %neg3A = arith.constant 0.000000e+00 : f32
    %neg3A_5 = vector.broadcast %neg3A : f32 to vector<1000x1xf32>
    %neg3A_6 = arith.subf %neg3A_5, %slice3A : vector<1000x1xf32>
    %slice3A_7 = vector.extract_strided_slice %add3A {offsets = [0, 0], sizes = [1000, 1], strides = [1, 1]} : vector<1000x16xf32> to vector<1000x1xf32>
    %mul3A = arith.mulf %neg3A_6, %slice3A_7 : vector<1000x1xf32>
    %slice3A_8 = vector.extract_strided_slice %add3A {offsets = [0, 1], sizes = [1000, 15], strides = [1, 1]} : vector<1000x16xf32> to vector<1000x15xf32>
    %slice3A_9 = vector.extract_strided_slice %add3A {offsets = [0, 1], sizes = [1000, 15], strides = [1, 1]} : vector<1000x16xf32> to vector<1000x15xf32>
    %mul3A_10 = arith.mulf %slice3A_8, %slice3A_9 : vector<1000x15xf32>
    %reduce_sum3A = arith.constant dense<0.000000e+00> : vector<1000xf32>
    %reduce_sum3A_11 = vector.multi_reduction <add>, %mul3A_10, %reduce_sum3A [1] : vector<1000x15xf32> to vector<1000xf32>
    %broadcast_in_dim3A = vector.shape_cast %reduce_sum3A_11 : vector<1000xf32> to vector<1000x1xf32>
    %add3A_12 = arith.addf %mul3A, %broadcast_in_dim3A : vector<1000x1xf32>
    %abs3A = math.absf %add3A_12 : vector<1000x1xf32>
    %jit3A = arith.constant 9.99999993E-9 : f32
    %max3A = vector.broadcast %jit3A : f32 to vector<1000x1xf32>
    %max3A_13 = arith.maximumf %max3A, %abs3A : vector<1000x1xf32>
    %sqrt3A = math.sqrt %max3A_13 : vector<1000x1xf32>
    %div3A = vector.broadcast %sqrt3A : vector<1000x1xf32> to vector<1000x16xf32>
    %div3A_14 = arith.divf %add3A, %div3A : vector<1000x16xf32>
    %slice3A_15 = vector.extract_strided_slice %div3A_14 {offsets = [0, 1], sizes = [1000, 2], strides = [1, 1]} : vector<1000x16xf32> to vector<1000x2xf32>
    %slice3A_16 = vector.extract_strided_slice %div3A_14 {offsets = [0, 0], sizes = [1000, 1], strides = [1, 1]} : vector<1000x16xf32> to vector<1000x1xf32>
    %add3A_17 = arith.constant 1.000000e+00 : f32
    %add3A_18 = vector.broadcast %add3A_17 : f32 to vector<1000x1xf32>
    %add3A_19 = arith.addf %slice3A_16, %add3A_18 : vector<1000x1xf32>
    %div3A_20 = vector.broadcast %add3A_19 : vector<1000x1xf32> to vector<1000x2xf32>
    %div3A_21 = arith.divf %slice3A_15, %div3A_20 : vector<1000x2xf32>
    %mul3A_22 = arith.mulf %div3A_21, %div3A_21 : vector<1000x2xf32>
    %reduce_sum3A_23 = arith.constant dense<0.000000e+00> : vector<1000xf32>
    %reduce_sum3A_24 = vector.multi_reduction <add>, %mul3A_22, %reduce_sum3A_23 [1] : vector<1000x2xf32> to vector<1000xf32>
    %broadcast_in_dim3A_25 = vector.shape_cast %reduce_sum3A_24 : vector<1000xf32> to vector<1000x1xf32>
    %sqrt3A_26 = math.sqrt %broadcast_in_dim3A_25 : vector<1000x1xf32>
    %jit3A_27 = arith.constant 9.99999996E-13 : f32
    %max3A_28 = vector.broadcast %jit3A_27 : f32 to vector<1000x1xf32>
    %max3A_29 = arith.maximumf %max3A_28, %sqrt3A_26 : vector<1000x1xf32>
    %div3A_30 = vector.broadcast %max3A_29 : vector<1000x1xf32> to vector<1000x2xf32>
    %div3A_31 = arith.divf %div3A_21, %div3A_30 : vector<1000x2xf32>
    %get3A_32 = arith.constant 0 : index
    %get3A_33 = arith.constant 0 : index
    %get3A_34 = vector.load %arg3[%get3A_32, %get3A_33] : memref<1x1xf32, #tpu.memory_space<vmem>>, vector<1x1xf32>
    %get3A_35 = vector.extract %get3A_34[0, 0] : f32 from vector<1x1xf32>
    %jit3A_36 = arith.constant 6.660000e-01 : f32
    %jit3A_37 = arith.constant 9.990000e-01 : f32
    %max3A_38 = arith.maximumf %jit3A_36, %get3A_35 : f32
    %min3A = arith.minimumf %jit3A_37, %max3A_38 : f32
    %mul3A_39 = vector.broadcast %min3A : f32 to vector<1000x2xf32>
    %mul3A_40 = arith.mulf %div3A_31, %mul3A_39 : vector<1000x2xf32>
    %mul3A_41 = arith.mulf %mul3A_40, %mul3A_40 : vector<1000x2xf32>
    %reduce_sum3A_42 = arith.constant dense<0.000000e+00> : vector<1000xf32>
    %reduce_sum3A_43 = vector.multi_reduction <add>, %mul3A_41, %reduce_sum3A_42 [1] : vector<1000x2xf32> to vector<1000xf32>
    %broadcast_in_dim3A_44 = vector.shape_cast %reduce_sum3A_43 : vector<1000xf32> to vector<1000x1xf32>
    %sqrt3A_45 = math.sqrt %broadcast_in_dim3A_44 : vector<1000x1xf32>
    %jit3A_46 = arith.constant 1.000000e-15 : f32
    %max3A_47 = vector.broadcast %jit3A_46 : f32 to vector<1000x1xf32>
    %max3A_48 = arith.maximumf %max3A_47, %sqrt3A_45 : vector<1000x1xf32>
    %gt3A = arith.constant 1.000000e+00 : f32
    %gt3A_49 = vector.broadcast %gt3A : f32 to vector<1000x1xf32>
    %gt3A_50 = arith.cmpf ogt, %max3A_48, %gt3A_49 : vector<1000x1xf32>
    %div3A_51 = vector.broadcast %max3A_48 : vector<1000x1xf32> to vector<1000x2xf32>
    %div3A_52 = arith.divf %mul3A_40, %div3A_51 : vector<1000x2xf32>
    %mul3A_53 = arith.constant 1.000000e+00 : f32
    %mul3A_54 = vector.broadcast %mul3A_53 : f32 to vector<1000x2xf32>
    %mul3A_55 = arith.mulf %div3A_52, %mul3A_54 : vector<1000x2xf32>
    %broadcast_in_dim3A_56 = vector.shape_cast %gt3A_50 : vector<1000x1xi1> to vector<1000x1xi1>
    %broadcast_in_dim3A_57 = vector.broadcast %broadcast_in_dim3A_56 : vector<1000x1xi1> to vector<1000x2xi1>
    %select_n3A = arith.select %broadcast_in_dim3A_57, %mul3A_55, %mul3A_40 : vector<1000x2xi1>, vector<1000x2xf32>
    %broadcast_in_dim3A_58 = arith.constant 0.000000e+00 : f32
    %broadcast_in_dim3A_59 = vector.broadcast %broadcast_in_dim3A_58 : f32 to vector<1000x126xf32>
    %concatenate3A = tpu.concatenate %select_n3A, %broadcast_in_dim3A_59 in 1 : vector<1000x2xf32>, vector<1000x126xf32> -> vector<1000x128xf32>
    %swap3A = arith.constant 0 : index
    %swap3A_60 = arith.constant 0 : index
    %swap3A_61 = vector.load %arg4[%swap3A, %swap3A_60] : memref<1000x128xf32, #tpu.memory_space<vmem>>, vector<1000x128xf32>
    tpu.vector_store %arg4[%swap3A, %swap3A_60], %concatenate3A {strides = array<i32>} : memref<1000x128xf32, #tpu.memory_space<vmem>>, vector<1000x128xf32>,
    return
  }
  func.func @transform_0(%arg0: i32) -> (i32, i32) {
    %c0_i32 = arith.constant 0 : i32
    %c0_i32_0 = arith.constant 0 : i32
    return %arg0, %c0_i32 : i32, i32
  }
  func.func @transform_1(%arg0: i32) -> (i32, i32) {
    %add3A = arith.constant 10 : i32
    %add3A_0 = arith.addi %add3A, %arg0 : i32
    %c0_i32 = arith.constant 0 : i32
    %c0_i32_1 = arith.constant 0 : i32
    return %add3A_0, %c0_i32 : i32, i32
  }
  func.func @transform_2(%arg0: i32) -> (i32, i32) {
    %c0_i32 = arith.constant 0 : i32
    %c0_i32_0 = arith.constant 0 : i32
    %c0_i32_1 = arith.constant 0 : i32
    return %c0_i32, %c0_i32_0 : i32, i32
  }
  func.func @transform_3(%arg0: i32) -> (i32, i32) {
    %c0_i32 = arith.constant 0 : i32
    %c0_i32_0 = arith.constant 0 : i32
    return %arg0, %c0_i32 : i32, i32
  }
}

</mosaic_0001>

<sc_bundles>
// kernel: kernel.10.cloned.1.call-start
scs
__scs_entry_jumppad:
0x0: {  	(pc) =	sbr.rel $0x88, $3  }
0x1: {  	(tag) =	ssettag $0x0;
	lr =	simm.s32 $0x1  }
0x2: {  	[smem:$0x3F98] =	sst lr;
	_ =	strace $0xD0000000  }
0x3: {  	_ = 	snop  }
0x4: {  	_ = 	snop  }
0x5: {  	_ = 	snop  }
0x6: {  	_ = 	snop  }
0x7: {  	_ = 	snop  }
__scs_overlays_trampoline_lowered:
0x8: {  	[smem:$0x3FA7] =	sst s0  }
0x9: {  	[smem:$0x3FA8] =	sst s1  }
0xa: {  	[smem:$0x3FA9] =	sst s2  }
0xb: {  	[smem:$0x3FAA] =	sst s3  }
0xc: {  	[smem:$0x3FAB] =	sst s4  }
0xd: {  	[smem:$0x3FAC] =	sst s5  }
0xe: {  	[smem:$0x3FAD] =	sst s6  }
0xf: {  	[smem:$0x3FAE] =	sst s7  }
0x10: {  	[smem:$0x3FAF] =	sst s8  }
0x11: {  	[smem:$0x3FB0] =	sst s9;
	s0 =	simm.s32 @!p0 $0x0  }
0x12: {  	s1 =	sld [smem:$0x3F96];
	s0 =	simm.s32 @p0 $0x1  }
0x13: {  	[smem:$0x3FB1] =	sst s0;
	s0 =	simm.s32 @!p1 $0x0  }
0x14: {  	s2 =	sld [smem:$0x3F95];
	s0 =	simm.s32 @p1 $0x1  }
0x15: {  	[smem:$0x3FB2] =	sst s0;
	s0 =	simm.s32 @!p2 $0x0  }
0x16: {  	s3 =	sld [smem:$0x3FDB];
	s0 =	simm.s32 @p2 $0x1  }
0x17: {  	s4 =	simm.s32 $0x1BF5;
	[smem:$0x3FB4] =	sst s0  }
0x18: {  	s0 =	sld [smem:$0x3F97];
	_ =	swait.ge [sflag:s4], $0x0  }
0x19: {  	s7 =	sld [smem:$0x3F98]  }
0x1a: {  	s8 =	sadd.s32 $0xFFFFE003, lr  }
0x1b: {  	s9 =	sadd.s32 $0xFFFFFEF7, lr;
	s5 =	simm.s32 $0xFFFFFFFF;
	p2 =	slt.u32 s8, $0xFFFFF086  }
0x1c: {  	p1 =	slt.u32 s9, $0xF7A;
	s5 =	simm.s32 @!p2 $0x0  }
0x1d: {  	s5 =	simm.s32 @p1 $0x1;
	p0 =	seq.s32 s7, s2  }
0x1e: {  	s7 =	smul.u32 @!p0 $0xF7A, s2;
	p2 =	seq.s32 @!p0 s5, $0x0  }
0x1f: {  	s9 =	smul.u32 $0xF7A, s1;
	s8 =	simm.s32 @!p0 $0x1BF5;
	p2 =	por !p2, p0  }
0x20: {  	[sflag:s8] =	ssyncset.s32 @!p0 $0xFFFFF086;
	s6 =	sadd.s32 @!p0 s3, s7;
	s7 =	simm.s32 @!p0 $0x108  }
0x21: {  	s3 =	sadd.s32 s3, s9;
	s6 =	sadd.s32 @!p0 $0x88, s6;
	s7 =	simm.s32 @p2 $0x1082  }
0x22: {  	[simem:s7], [sflag:s8] =	dma.local @!p0 [hbm:s6], $0xF7A  }
0x23: {  	s9 =	sor.u32 $0xD0000000, s2;
	s6 =	simm.s32 $0x108;
	_ =	swait.ge @!p0 [sflag:s8], $0x0  }
0x24: {  	s3 =	sadd.s32 $0x88, s3;
	s6 =	simm.s32 @!p1 $0x1082;
	[sflag:s4] =	ssyncset.s32 $0xFFFFF086  }
0x25: {  	[simem:s6], [sflag:s4] =	dma.local [hbm:s3], $0xF7A  }
0x26: {  	[smem:$0x3F98] =	sst s1;
	(tag) =	ssettag s2;
	_ =	strace s9  }
0x27: {  	s1 =	sld [smem:$0x3FA8]  }
0x28: {  	s2 =	sld [smem:$0x3FA9]  }
0x29: {  	s4 =	sld [smem:$0x3FAB]  }
0x2a: {  	p0 =	seq.s32 s5, $0x0;
	s5 =	sld [smem:$0x3FAC]  }
0x2b: {  	s6 =	sld [smem:$0x3FAD]  }
0x2c: {  	s7 =	sld [smem:$0x3FAE]  }
0x2d: {  	s3 =	simm.s32 $0x108;
	s8 =	sld [smem:$0x3FAF]  }
0x2e: {  	s3 =	simm.s32 @!p0 $0x1082;
	s9 =	sld [smem:$0x3FB0]  }
0x2f: {  	lr =	sadd.s32 s0, s3;
	s0 =	sld [smem:$0x3FA7]  }
0x30: {  	s3 =	sld [smem:$0x3FAA]  }
0x31: {  	[smem:$0x3FB3] =	sst s10  }
0x32: {  	s10 =	sld [smem:$0x3FB1];
	_ =	sdelay $0x3  }
0x33: {  	p0 =	seq.s32 s10, $0x1;
	s10 =	sld [smem:$0x3FB3];
	_ =	sdelay $0x3  }
0x34: {  	[smem:$0x3FB3] =	sst s10  }
0x35: {  	s10 =	sld [smem:$0x3FB2];
	_ =	sdelay $0x3  }
0x36: {  	p1 =	seq.s32 s10, $0x1;
	s10 =	sld [smem:$0x3FB3];
	_ =	sdelay $0x3  }
0x37: {  	[smem:$0x3FB3] =	sst s10  }
0x38: {  	s10 =	sld [smem:$0x3FB4]  }
0x39: {  	_ = 	snop;
	(pc) =	sbr.ind lr, $3  }
0x3a: {  	_ = 	snop  }
0x3b: {  	_ = 	snop  }
0x3c: {  	p2 =	seq.s32 s10, $0x1;
	s10 =	sld [smem:$0x3FB3]  }
0x3d: {  	_ =	shalt  }
0x3e: {  	_ =	shalt  }
0x3f: {  	_ =	shalt  }
0x40: {  	_ =	shalt  }
0x41: {  	_ =	shalt  }
0x42: {  	_ =	shalt  }
0x43: {  	_ =	shalt  }
0x44: {  	_ =	shalt  }
0x45: {  	_ =	shalt  }
0x46: {  	_ =	shalt  }
0x47: {  	_ =	shalt  }
0x48: {  	_ =	shalt  }
0x49: {  	_ =	shalt  }
0x4a: {  	_ =	shalt  }
0x4b: {  	_ =	shalt  }
0x4c: {  	_ =	shalt  }
0x4d: {  	_ =	shalt  }
0x4e: {  	_ =	shalt  }
0x4f: {  	_ =	shalt  }
0x50: {  	_ =	shalt  }
0x51: {  	_ =	shalt  }
0x52: {  	_ =	shalt  }
0x53: {  	_ =	shalt  }
0x54: {  	_ =	shalt  }
0x55: {  	_ =	shalt  }
0x56: {  	_ =	shalt  }
0x57: {  	_ =	shalt  }
0x58: {  	_ =	shalt  }
0x59: {  	_ =	shalt  }
0x5a: {  	_ =	shalt  }
0x5b: {  	_ =	shalt  }
0x5c: {  	_ =	shalt  }
0x5d: {  	_ =	shalt  }
0x5e: {  	_ =	shalt  }
0x5f: {  	_ =	shalt  }
0x60: {  	_ =	shalt  }
0x61: {  	_ =	shalt  }
0x62: {  	_ =	shalt  }
0x63: {  	_ =	shalt  }
0x64: {  	_ =	shalt  }
0x65: {  	_ =	shalt  }
0x66: {  	_ =	shalt  }
0x67: {  	_ =	shalt  }
0x68: {  	_ =	shalt  }
0x69: {  	_ =	shalt  }
0x6a: {  	_ =	shalt  }
0x6b: {  	_ =	shalt  }
0x6c: {  	_ =	shalt  }
0x6d: {  	_ =	shalt  }
0x6e: {  	_ =	shalt  }
0x6f: {  	_ =	shalt  }
0x70: {  	_ =	shalt  }
0x71: {  	_ =	shalt  }
0x72: {  	_ =	shalt  }
0x73: {  	_ =	shalt  }
0x74: {  	_ =	shalt  }
0x75: {  	_ =	shalt  }
0x76: {  	_ =	shalt  }
0x77: {  	_ =	shalt  }
0x78: {  	_ =	shalt  }
0x79: {  	_ =	shalt  }
0x7a: {  	_ =	shalt  }
0x7b: {  	_ =	shalt  }
0x7c: {  	_ =	shalt  }
0x7d: {  	_ =	shalt  }
0x7e: {  	_ =	shalt  }
0x7f: {  	_ =	shalt  }
0x80: {  	_ =	shalt  }
0x81: {  	_ =	shalt  }
0x82: {  	_ =	shalt  }
0x83: {  	_ =	shalt  }
0x84: {  	_ =	shalt  }
0x85: {  	_ =	shalt  }
0x86: {  	_ =	shalt  }
0x87: {  	_ =	shalt  }
.Lfunc_end0:
.L_simem_size_0:
called_computation.1_lowered:
.L_overlay_start_0:
0x88: {  	s2 =	sld [smem:$0x3FD9]  }
0x89: {  	s3 =	sld [smem:$0x3FFE];
	_ =	sdelay $0x1  }
0x8a: {  	s1 =	srdreg.scid  }
0x8b: {  	s0 =	sand.u32 $0x1, s1  }
0x8c: {  	s16 =	sshll.u32 s0, $0xA;
	s2 =	sadd.s32 s3, s2  }
0x8d: {  	s2 =	sadd.s32 s2, s16  }
0x8e: {  	[smem:$0x3FBF] =	sst s2  }
0x8f: {  	_ = 	snop  }
0x90: {  	(tm) =	ssettm $0x1  }
0x91: {  	s17 =	sld [smem:$0x3FFB];
	_ =	sdelay $0x3  }
0x92: {  	_ =	strace s17  }
0x93: {  	s2 =	sld [smem:$0x3FFC];
	_ =	sdelay $0x3  }
0x94: {  	_ =	strace s2  }
0x95: {  	s2 =	sld [smem:$0x3FFD];
	_ =	sdelay $0x3  }
0x96: {  	_ =	strace s2  }
0x97: {  	_ =	strace $0x8FFFFFFF  }
0x98: {  	s18 =	sld [smem:$0x3FDB];
	_ =	sdelay $0x1  }
0x99: {  	s19 =	simm.s32 $_scs_section_size  }
0x9a: {  	s4 =	simm.s32 $_size__tile_overlayer_lowered;
	s5 =	simm.s32 $_tile_overlayer_lowered  }
0x9b: {  	s22 =	simm.s32 $0x1BFF;
	s21 =	sshll.u32 s5, $0x1;
	s2 =	sadd.s32 s19, s18  }
0x9c: {  	s6 =	simm.s32 $0x0;
	s20 =	sshll.u32 s4, $0x1;
	s4 =	sadd.s32 s21, s2  }
0x9d: {  	[timem:s6], [sflag:s22] =	dma.local [hbm:s4], s20  }
0x9e: {  	_ =	swait.ge [sflag:s22], s20  }
0x9f: {  	s3 =	ssub.s32 $0x0, s20;
	[sflag:s22] =	ssyncset.done $0x0  }
0xa0: {  	[sflag:s22] =	ssyncadd.s32 s3;
	_ =	sdelay $0x1  }
0xa1: {  	s23 =	simm.s32 $0x1B8B  }
0xa2: {  	_ =	swait.ge [sflag:s23], $0x1  }
0xa3: {  	[sflag:s23] =	ssyncset.done $0x0  }
0xa4: {  	s25 =	simm.s32 $0x1B8E;
	s24 =	sld [smem:$0x3FFE];
	[sflag:s23] =	ssyncadd.s32 $0xFFFFFFFF  }
0xa5: {  	s26 =	simm.s32 $execute0_lowered;
	[smem:$0x3FD2] =	sst s25  }
0xa6: {  	s4 =	sshll.u32 s26, $0x1;
	_ =	strace $0x80000049;
	[dreg:$0x1] =	wrdreg $0xFFFFFFFF  }
0xa7: {  	s28 =	simm.s32 $_size_execute0_lowered;
	s2 =	sadd.s32 s2, s4;
	[dreg:$0x0] =	wrdreg $0x0  }
0xa8: {  	s4 =	sshll.u32 s28, $0x1;
	[dreg:$0x2] =	wrdreg s2  }
0xa9: {  	[dreg:$0x3] =	wrdreg s4  }
0xaa: {  	[dreg:$0x4] =	wrdreg $0xC0  }
0xab: {  	_ =	task [dreg:s6], $0x5FFFF  }
0xac: {  	[dreg:$0x1] =	wrdreg $0xFFFFFFFF  }
0xad: {  	[dreg:$0x0] =	wrdreg $0x60  }
0xae: {  	[dreg:$0x2] =	wrdreg s24  }
0xaf: {  	[dreg:$0x3] =	wrdreg $0x1C000  }
0xb0: {  	[dreg:$0x4] =	wrdreg $0x9  }
0xb1: {  	_ =	task.clear_ibuf [dreg:s6], $0x5FFFF;
	_ =	strace $0x90000049  }
0xb2: {  	s29 =	simm.s32 $0x9;
	_ =	strace $0x8000004B  }
0xb3: {  	_ =	swait.ge [sflag:s29], $0x1  }
0xb4: {  	[sflag:s29] =	ssyncadd.s32 $0xFFFFFFFF  }
0xb5: {  	_ =	strace $0x9000004B  }
0xb6: {  	_ =	sfence  }
0xb7: {  	s30 =	sld [smem:$0x0];
	_ =	sdelay $0x2  }
0xb8: {  	s31 =	sshll.u32 s1, $0xD;
	s1 =	sshrl.u32 s1, $0x2  }
0xb9: {  	s3 =	sand.u32 $0x4000, s31;
	s1 =	sadd.s32 s1, s30  }
0xba: {  	s0 =	sor.u32 s3, s0;
	s1 =	sshll.u32 s1, $0x11  }
0xbb: {  	s0 =	sor.u32 s1, s0  }
0xbc: {  	s0 =	sadd.s32 $0x8F2B, s0  }
0xbd: {  	[sflag:s0] =	ssyncadd.remote.s32 $0x1  }
0xbe: {  	_ =	sfence.sel $0xFFFF  }
0xbf: {  	[dreg:$0x0] =	wrdreg $0xFFFFFFFF;
	(pc) =	sbr.abs _section_cstart, $3  }
0xc0: {  	[dreg:$0x1] =	wrdreg $0xFFFFFFFF  }
0xc1: {  	_ =	task.clear_ibuf [dreg:s6], $0x2FFFF;
	_ =	strace $0x9FFFFFFF  }
0xc2: {  	(tm) =	ssettm $0x7FFFFFFF  }
0xc3: {  	_ =	shalt  }
tec
execute0_lowered:
.L_overlay_start_1:
0x0: {  	(tag) =	ssettag $0x1  }
0x1: {  	s1 =	rddreg [dreg:$0x0]  }
0x2: {  	s2 =	rddreg [dreg:$0x1]  }
0x3: {  	s0 =	srdreg.scid;
	s4 =	simm.s32 $0x0;
	s3 =	stileid.u32  }
0x4: {  	s15 =	simm.s32 $0x80;
	s16 =	simm.s32 $0x400;
	s17 =	simm.s32 $0xC00  }
0x5: {  	s18 =	simm.s32 $0x1;
	s19 =	simm.s32 $0x100;
	s20 =	simm.s32 $0x1400  }
0x6: {  	s21 =	simm.s32 $0x200;
	s22 =	simm.s32 $0x2;
	s23 =	simm.s32 $0x180  }
0x7: {  	s24 =	simm.s32 $0x280;
	s28 =	simm.s32 $0x380;
	s7 =	smul.u32 $0x270, s3  }
0x8: {  	s29 =	simm.s32 $0x0;
	s0 =	sand.u32 $0x1, s0;
	s8 =	smul.u32 $0x9C00, s3  }
0x9: {  	[smem:$0x7FF] =	sst s4;
	s10 =	sadd.s32 $0x9E00, s1;
	s13 =	smul.u32 $0xA00, s3  }
0xa: {  	s31 =	sshll.u32 s3, $0x6;
	s14 =	sadd.s32 $0x27000, s2;
	s5 =	smul.u32 $0xA000, s0  }
0xb: {  	p0 =	sne.s32 s3, $0xF;
	s6 =	smul.u32 $0x2710, s0;
	_ =	strace $0x8000004A  }
0xc: {  	s25 =	ssub.s32 $0x2, s0;
	s0 =	smul.u32 $0x27100, s0;
	s14 =	sshrl.u32 @!p0 s14, $0x3  }
0xd: {  	s11 =	sshrl.u32 s25, $0x1;
	s26 =	sshrl.u32 s8, $0x2;
	s9 =	sadd.s32 s5, s1  }
0xe: {  	s6 =	sadd.s32 s7, s6;
	s11 =	ssub.s32 s25, s11;
	s12 =	sadd.s32 s26, s2  }
0xf: {  	s0 =	sshrl.u32 s0, $0x3;
	s25 =	simm.s32 $0x3;
	s26 =	simm.s32 $0x300  }
0x10: {  	s30 =	sshll.u32 s6, $0x1;
	s6 =	sor.u32 $0x1C04, s31;
	s0 =	sadd.s32 $0x4E00, s0  }
0x11: {  	s13 =	sadd.s32 s13, s9;
	s12 =	sshrl.u32 s12, $0x3;
	s5 =	sadd.s32 s1, s30  }
0x12: {  	s7 =	sadd.s32 s1, s0;
	s8 =	sadd.s32 s10, s30;
	s9 =	sadd.s32 s10, s0  }
0x13: {  	s10 =	smax.u32 s11, $0x1;
	s11 =	sadd.s32 $0xC4400, s13;
	s13 =	simm.s32 $0x4  }
.LBB2_1:
0x14: {  	[spmem:s12], [sflag:s6] =	dma.local [hbm:s5], $0x4E0  }
0x15: {  	_ =	swait.ge [sflag:s13], $0x4E0  }
0x16: {  	[sflag:s13] =	ssyncset.done $0x0  }
0x17: {  	s0 =	simm.s32 @!p0 $0x4;
	[sflag:s13] =	ssyncadd.s32 $0xFFFFFB20  }
0x18: {  	[spmem:s14], [sflag:s6] =	dma.local @!p0 [hbm:s7], $0x20  }
0x19: {  	_ =	swait.ge @!p0 [sflag:s0], $0x20  }
0x1a: {  	[sflag:s0] =	ssyncset.done @!p0 $0x0  }
0x1b: {  	[sflag:s0] =	ssyncadd.s32 @!p0 $0xFFFFFFE0  }
0x1c: {  	s3 =	sadd.s32 $0x0, s11;
	[bflag:$0x0] =	sbarrier.arrive $0xFFFF  }
0x1d: {  	[tilespmem:s4], [sflag:$0x4] =	stream.linear.gather [hbm4b:s3+s4], $0x400, $0x38;
	[tilespmem:$0x4318] =	vst v63  }
0x1e: {  	_ =	swait.ge [sflag:s13], $0x400  }
0x1f: {  	[sflag:s13] =	ssyncset.done $0x0  }
0x20: {  	[sflag:s13] =	ssyncadd.s32 $0xFFFFFC00  }
0x21: {  	[tilespmem:s16], [sflag:$0x1] =	stream.indirect.gather [hbm4b:s1+s15], $0x10, s4, s15, $0xb8;
	[tilespmem:$0x4318] =	vst v63  }
0x22: {  	_ = 	snop  }
0x23: {  	[tilespmem:s17], [sflag:$0x2] =	stream.indirect.gather [hbm4b:s1+s15], $0x10, s15, s15, $0xb8;
	[tilespmem:$0x4318] =	vst v63  }
0x24: {  	_ =	swait.ge [sflag:s18], $0x800  }
0x25: {  	[sflag:s18] =	ssyncset.done $0x0  }
0x26: {  	[sflag:s18] =	ssyncadd.s32 $0xFFFFF800  }
0x27: {  	[tilespmem:s20], [sflag:$0x3] =	stream.indirect.gather [hbm4b:s1+s15], $0x10, s19, s15, $0xb8;
	[tilespmem:$0x4318] =	vst v63  }
0x28: {  	_ = 	snop  }
0x29: {  	[spmem:s2] =	stream.indirect.scatter.add.f32 [tilespmem:s16], [sflag:$0x4], $0x10, s21, s15, $0xb8;
	[tilespmem:$0x4318] =	vst v63  }
0x2a: {  	_ =	swait.ge [sflag:s13], $0x800  }
0x2b: {  	[sflag:s13] =	ssyncset.done $0x0  }
0x2c: {  	[sflag:s13] =	ssyncadd.s32 $0xFFFFF800  }
0x2d: {  	_ =	swait.ge [sflag:s22], $0x800  }
0x2e: {  	[sflag:s22] =	ssyncset.done $0x0  }
0x2f: {  	[sflag:s22] =	ssyncadd.s32 $0xFFFFF800  }
0x30: {  	[tilespmem:s16], [sflag:$0x1] =	stream.indirect.gather [hbm4b:s1+s15], $0x10, s23, s15, $0xb8;
	[tilespmem:$0x4318] =	vst v63  }
0x31: {  	_ = 	snop  }
0x32: {  	[spmem:s2] =	stream.indirect.scatter.add.f32 [tilespmem:s17], [sflag:$0x4], $0x10, s24, s15, $0xb8;
	[tilespmem:$0x4318] =	vst v63  }
0x33: {  	_ =	swait.ge [sflag:s13], $0x800  }
0x34: {  	[sflag:s13] =	ssyncset.done $0x0  }
0x35: {  	[sflag:s13] =	ssyncadd.s32 $0xFFFFF800  }
0x36: {  	_ =	swait.ge [sflag:s25], $0x800  }
0x37: {  	[sflag:s25] =	ssyncset.done $0x0  }
0x38: {  	[sflag:s25] =	ssyncadd.s32 $0xFFFFF800  }
0x39: {  	[spmem:s2] =	stream.indirect.scatter.add.f32 [tilespmem:s20], [sflag:$0x4], $0x10, s26, s15, $0xb8;
	[tilespmem:$0x4318] =	vst v63  }
0x3a: {  	_ =	swait.ge [sflag:s13], $0x800  }
0x3b: {  	[sflag:s13] =	ssyncset.done $0x0  }
0x3c: {  	[sflag:s13] =	ssyncadd.s32 $0xFFFFF800  }
0x3d: {  	_ =	swait.ge [sflag:s18], $0x800  }
0x3e: {  	[sflag:s18] =	ssyncset.done $0x0  }
0x3f: {  	[sflag:s18] =	ssyncadd.s32 $0xFFFFF800  }
0x40: {  	[spmem:s2] =	stream.indirect.scatter.add.f32 [tilespmem:s16], [sflag:$0x4], $0x10, s28, s15, $0xb8;
	[tilespmem:$0x4318] =	vst v63  }
0x41: {  	_ =	swait.ge [sflag:s13], $0x800  }
0x42: {  	s30 =	simm.s32 $0x80;
	s31 =	simm.s32 $0x100;
	[sflag:s13] =	ssyncset.done $0x0  }
.LBB2_2:
0x43: {  	s3 =	sadd.s32 s30, s11  }
0x44: {  	[sflag:s13] =	ssyncadd.s32 $0xFFFFF800;
	s30 =	smov.u32 s31;
	s0 =	sadd.s32 $0x80, s31  }
0x45: {  	[tilespmem:s4], [sflag:$0x4] =	stream.linear.gather [hbm4b:s3+s4], $0x400, $0x38;
	[tilespmem:$0x4318] =	vst v63  }
0x46: {  	p1 =	sne.s32 s31, $0x980;
	_ =	swait.ge [sflag:s13], $0x400  }
0x47: {  	[sflag:s13] =	ssyncset.done $0x0  }
0x48: {  	[sflag:s13] =	ssyncadd.s32 $0xFFFFFC00  }
0x49: {  	[tilespmem:s16], [sflag:$0x1] =	stream.indirect.gather [hbm4b:s1+s15], $0x10, s4, s15, $0xb8;
	[tilespmem:$0x4318] =	vst v63  }
0x4a: {  	_ = 	snop  }
0x4b: {  	[tilespmem:s17], [sflag:$0x2] =	stream.indirect.gather [hbm4b:s1+s15], $0x10, s15, s15, $0xb8;
	[tilespmem:$0x4318] =	vst v63  }
0x4c: {  	_ =	swait.ge [sflag:s18], $0x800  }
0x4d: {  	[sflag:s18] =	ssyncset.done $0x0  }
0x4e: {  	[sflag:s18] =	ssyncadd.s32 $0xFFFFF800  }
0x4f: {  	[tilespmem:s20], [sflag:$0x3] =	stream.indirect.gather [hbm4b:s1+s15], $0x10, s19, s15, $0xb8;
	[tilespmem:$0x4318] =	vst v63  }
0x50: {  	_ = 	snop  }
0x51: {  	[spmem:s2] =	stream.indirect.scatter.add.f32 [tilespmem:s16], [sflag:$0x4], $0x10, s21, s15, $0xb8;
	[tilespmem:$0x4318] =	vst v63  }
0x52: {  	_ =	swait.ge [sflag:s13], $0x800  }
0x53: {  	[sflag:s13] =	ssyncset.done $0x0  }
0x54: {  	[sflag:s13] =	ssyncadd.s32 $0xFFFFF800  }
0x55: {  	_ =	swait.ge [sflag:s22], $0x800  }
0x56: {  	[sflag:s22] =	ssyncset.done $0x0  }
0x57: {  	[sflag:s22] =	ssyncadd.s32 $0xFFFFF800  }
0x58: {  	[tilespmem:s16], [sflag:$0x1] =	stream.indirect.gather [hbm4b:s1+s15], $0x10, s23, s15, $0xb8;
	[tilespmem:$0x4318] =	vst v63  }
0x59: {  	_ = 	snop  }
0x5a: {  	[spmem:s2] =	stream.indirect.scatter.add.f32 [tilespmem:s17], [sflag:$0x4], $0x10, s24, s15, $0xb8;
	[tilespmem:$0x4318] =	vst v63  }
0x5b: {  	_ =	swait.ge [sflag:s13], $0x800  }
0x5c: {  	[sflag:s13] =	ssyncset.done $0x0  }
0x5d: {  	[sflag:s13] =	ssyncadd.s32 $0xFFFFF800  }
0x5e: {  	_ =	swait.ge [sflag:s25], $0x800  }
0x5f: {  	[sflag:s25] =	ssyncset.done $0x0  }
0x60: {  	[sflag:s25] =	ssyncadd.s32 $0xFFFFF800  }
0x61: {  	[spmem:s2] =	stream.indirect.scatter.add.f32 [tilespmem:s20], [sflag:$0x4], $0x10, s26, s15, $0xb8;
	[tilespmem:$0x4318] =	vst v63  }
0x62: {  	_ =	swait.ge [sflag:s13], $0x800  }
0x63: {  	[sflag:s13] =	ssyncset.done $0x0  }
0x64: {  	[sflag:s13] =	ssyncadd.s32 $0xFFFFF800  }
0x65: {  	_ =	swait.ge [sflag:s18], $0x800  }
.Ltmp0:
0x66: {  	[sflag:s18] =	ssyncset.done $0x0;
	(pc) =	sbr.rel @p1 .LBB2_2-.Ltmp0, $4  }
0x67: {  	[sflag:s18] =	ssyncadd.s32 $0xFFFFF800  }
0x68: {  	[spmem:s2] =	stream.indirect.scatter.add.f32 [tilespmem:s16], [sflag:$0x4], $0x10, s28, s15, $0xb8;
	[tilespmem:$0x4318] =	vst v63  }
0x69: {  	_ =	swait.ge [sflag:s13], $0x800  }
0x6a: {  	s31 =	smov.u32 s0;
	[sflag:s13] =	ssyncset.done $0x0  }
0x6b: {  	s0 =	sadd.s32 s30, s11;
	[sflag:s13] =	ssyncadd.s32 $0xFFFFF800  }
0x6c: {  	[tilespmem:s4], [sflag:$0x4] =	stream.linear.gather [hbm4b:s0+s4], $0x400, $0x38;
	[tilespmem:$0x4318] =	vst v63  }
0x6d: {  	_ =	swait.ge [sflag:s13], $0x400  }
0x6e: {  	[sflag:s13] =	ssyncset.done $0x0  }
0x6f: {  	[sflag:s13] =	ssyncadd.s32 $0xFFFFFC00  }
0x70: {  	[tilespmem:s16], [sflag:$0x1] =	stream.indirect.gather [hbm4b:s1+s15], $0x10, s4, s15, $0xb8;
	[tilespmem:$0x4318] =	vst v63  }
0x71: {  	_ = 	snop  }
0x72: {  	[tilespmem:s17], [sflag:$0x2] =	stream.indirect.gather [hbm4b:s1+s15], $0x10, s15, s15, $0xb8;
	[tilespmem:$0x4318] =	vst v63  }
0x73: {  	_ =	swait.ge [sflag:s18], $0x800  }
0x74: {  	[sflag:s18] =	ssyncset.done $0x0  }
0x75: {  	[sflag:s18] =	ssyncadd.s32 $0xFFFFF800  }
0x76: {  	[tilespmem:s20], [sflag:$0x3] =	stream.indirect.gather [hbm4b:s1+s15], $0x10, s19, s15, $0xb8;
	[tilespmem:$0x4318] =	vst v63  }
0x77: {  	_ = 	snop  }
0x78: {  	[spmem:s2] =	stream.indirect.scatter.add.f32 [tilespmem:s16], [sflag:$0x4], $0x10, s21, s15, $0xb8;
	[tilespmem:$0x4318] =	vst v63  }
0x79: {  	_ =	swait.ge [sflag:s13], $0x800  }
0x7a: {  	[sflag:s13] =	ssyncset.done $0x0  }
0x7b: {  	[sflag:s13] =	ssyncadd.s32 $0xFFFFF800  }
0x7c: {  	_ =	swait.ge [sflag:s22], $0x800  }
0x7d: {  	[sflag:s22] =	ssyncset.done $0x0  }
0x7e: {  	[sflag:s22] =	ssyncadd.s32 $0xFFFFF800  }
0x7f: {  	[tilespmem:s16], [sflag:$0x1] =	stream.indirect.gather [hbm4b:s1+s15], $0x10, s23, s15, $0xb8;
	[tilespmem:$0x4318] =	vst v63  }
0x80: {  	_ = 	snop  }
0x81: {  	[spmem:s2] =	stream.indirect.scatter.add.f32 [tilespmem:s17], [sflag:$0x4], $0x10, s24, s15, $0xb8;
	[tilespmem:$0x4318] =	vst v63  }
0x82: {  	_ =	swait.ge [sflag:s13], $0x800  }
0x83: {  	[sflag:s13] =	ssyncset.done $0x0  }
0x84: {  	[sflag:s13] =	ssyncadd.s32 $0xFFFFF800  }
0x85: {  	_ =	swait.ge [sflag:s25], $0x800  }
0x86: {  	[sflag:s25] =	ssyncset.done $0x0  }
0x87: {  	[sflag:s25] =	ssyncadd.s32 $0xFFFFF800  }
0x88: {  	[spmem:s2] =	stream.indirect.scatter.add.f32 [tilespmem:s20], [sflag:$0x4], $0x10, s26, s15, $0xb8;
	[tilespmem:$0x4318] =	vst v63  }
0x89: {  	_ =	swait.ge [sflag:s13], $0x800  }
0x8a: {  	[sflag:s13] =	ssyncset.done $0x0  }
0x8b: {  	[sflag:s13] =	ssyncadd.s32 $0xFFFFF800  }
0x8c: {  	_ =	swait.ge [sflag:s18], $0x800  }
0x8d: {  	[sflag:s18] =	ssyncset.done $0x0  }
0x8e: {  	[sflag:s18] =	ssyncadd.s32 $0xFFFFF800  }
0x8f: {  	[spmem:s2] =	stream.indirect.scatter.add.f32 [tilespmem:s16], [sflag:$0x4], $0x10, s28, s15, $0xb8;
	[tilespmem:$0x4318] =	vst v63  }
0x90: {  	_ =	swait.ge [sflag:s13], $0x800  }
0x91: {  	[sflag:s13] =	ssyncset.done $0x0  }
0x92: {  	[sflag:s13] =	ssyncadd.s32 $0xFFFFF800  }
0x93: {  	[bflag:$0x0] =	sbarrier.arrive $0xFFFF  }
0x94: {  	[hbm:s8], [sflag:s6] =	dma.local [spmem:s12], $0x4E0  }
0x95: {  	s29 =	sadd.s32 $0x1, s29;
	_ =	swait.ge [sflag:s13], $0x4E0  }
0x96: {  	p1 =	sne.s32 s29, s10;
	[sflag:s13] =	ssyncset.done $0x0  }
.Ltmp1:
0x97: {  	s0 =	simm.s32 @!p0 $0x4;
	[sflag:s13] =	ssyncadd.s32 $0xFFFFFB20;
	(pc) =	sbr.rel @p1 .LBB2_1-.Ltmp1, $4  }
0x98: {  	[hbm:s9], [sflag:s6] =	dma.local @!p0 [spmem:s14], $0x20  }
0x99: {  	_ =	swait.ge @!p0 [sflag:s0], $0x20  }
0x9a: {  	[sflag:s0] =	ssyncset.done @!p0 $0x0  }
0x9b: {  	[sflag:s0] =	ssyncadd.s32 @!p0 $0xFFFFFFE0  }
0x9c: {  	_ =	sfence.sel $0x180000  }
0x9d: {  	[bflag:$0x0] =	sbarrier.arrive $0xFFFF  }
0x9e: {  	_ =	strace $0x9000004A  }
0x9f: {  	s0 =	stileid.u32;
	[bflag:$0x2] =	sbarrier.arrive $0xFFFF  }
0xa0: {  	p0 =	sne.s32 s0, $0x0;
	s0 =	rddreg [dreg:$0x2]  }
0xa1: {  	s0 =	sadd.s32 @!p0 $0x100000, s0  }
0xa2: {  	[sflag:s0] =	ssyncadd.tile.s32 @!p0 $0x1;
	_ =	shalt  }
.Lfunc_end2:
_tile_overlayer_lowered:
.L_overlay_start_2:
0xa3: {  	(tag) =	ssettag $0x2  }
0xa4: {  	s0 =	rddreg [dreg:$0x0];
	s2 =	stileid.u32  }
0xa5: {  	s1 =	rddreg [dreg:$0x1];
	p0 =	sne.s32 s2, $0x0  }
0xa6: {  	s3 =	rddreg [dreg:$0x2];
	[bflag:$0x3] =	sbarrier.arrive $0xFFFF;
	s2 =	simm.s32 @!p0 $0x1C04  }
0xa7: {  	[timem:s3], [sflag:s2] =	dma.local @!p0 [hbm:s0], s1  }
0xa8: {  	s0 =	simm.s32 @!p0 $0x4  }
0xa9: {  	_ =	swait.ge @!p0 [sflag:s0], s1  }
0xaa: {  	s1 =	ssub.s32 @!p0 $0x0, s1;
	[sflag:s0] =	ssyncset.done @!p0 $0x0  }
0xab: {  	[sflag:s0] =	ssyncadd.s32 @!p0 s1  }
0xac: {  	[bflag:$0x3] =	sbarrier.arrive $0xFFFF  }
0xad: {  	_ =	shalt  }

// kernel: kernel.7.cloned.1.call-start
scs
__scs_entry_jumppad:
0x0: {  	(pc) =	sbr.rel $0x88, $3  }
0x1: {  	(tag) =	ssettag $0x0;
	lr =	simm.s32 $0x1  }
0x2: {  	[smem:$0x3F98] =	sst lr;
	_ =	strace $0xD0000000  }
0x3: {  	_ = 	snop  }
0x4: {  	_ = 	snop  }
0x5: {  	_ = 	snop  }
0x6: {  	_ = 	snop  }
0x7: {  	_ = 	snop  }
__scs_overlays_trampoline_lowered:
0x8: {  	[smem:$0x3FA7] =	sst s0  }
0x9: {  	[smem:$0x3FA8] =	sst s1  }
0xa: {  	[smem:$0x3FA9] =	sst s2  }
0xb: {  	[smem:$0x3FAA] =	sst s3  }
0xc: {  	[smem:$0x3FAB] =	sst s4  }
0xd: {  	[smem:$0x3FAC] =	sst s5  }
0xe: {  	[smem:$0x3FAD] =	sst s6  }
0xf: {  	[smem:$0x3FAE] =	sst s7  }
0x10: {  	[smem:$0x3FAF] =	sst s8  }
0x11: {  	[smem:$0x3FB0] =	sst s9;
	s0 =	simm.s32 @!p0 $0x0  }
0x12: {  	s1 =	sld [smem:$0x3F96];
	s0 =	simm.s32 @p0 $0x1  }
0x13: {  	[smem:$0x3FB1] =	sst s0;
	s0 =	simm.s32 @!p1 $0x0  }
0x14: {  	s2 =	sld [smem:$0x3F95];
	s0 =	simm.s32 @p1 $0x1  }
0x15: {  	[smem:$0x3FB2] =	sst s0;
	s0 =	simm.s32 @!p2 $0x0  }
0x16: {  	s3 =	sld [smem:$0x3FDB];
	s0 =	simm.s32 @p2 $0x1  }
0x17: {  	s4 =	simm.s32 $0x1BF5;
	[smem:$0x3FB4] =	sst s0  }
0x18: {  	s0 =	sld [smem:$0x3F97];
	_ =	swait.ge [sflag:s4], $0x0  }
0x19: {  	s7 =	sld [smem:$0x3F98]  }
0x1a: {  	s8 =	sadd.s32 $0xFFFFE003, lr  }
0x1b: {  	s9 =	sadd.s32 $0xFFFFFEF7, lr;
	s5 =	simm.s32 $0xFFFFFFFF;
	p2 =	slt.u32 s8, $0xFFFFF086  }
0x1c: {  	p1 =	slt.u32 s9, $0xF7A;
	s5 =	simm.s32 @!p2 $0x0  }
0x1d: {  	s5 =	simm.s32 @p1 $0x1;
	p0 =	seq.s32 s7, s2  }
0x1e: {  	s7 =	smul.u32 @!p0 $0xF7A, s2;
	p2 =	seq.s32 @!p0 s5, $0x0  }
0x1f: {  	s9 =	smul.u32 $0xF7A, s1;
	s8 =	simm.s32 @!p0 $0x1BF5;
	p2 =	por !p2, p0  }
0x20: {  	[sflag:s8] =	ssyncset.s32 @!p0 $0xFFFFF086;
	s6 =	sadd.s32 @!p0 s3, s7;
	s7 =	simm.s32 @!p0 $0x108  }
0x21: {  	s3 =	sadd.s32 s3, s9;
	s6 =	sadd.s32 @!p0 $0x88, s6;
	s7 =	simm.s32 @p2 $0x1082  }
0x22: {  	[simem:s7], [sflag:s8] =	dma.local @!p0 [hbm:s6], $0xF7A  }
0x23: {  	s9 =	sor.u32 $0xD0000000, s2;
	s6 =	simm.s32 $0x108;
	_ =	swait.ge @!p0 [sflag:s8], $0x0  }
0x24: {  	s3 =	sadd.s32 $0x88, s3;
	s6 =	simm.s32 @!p1 $0x1082;
	[sflag:s4] =	ssyncset.s32 $0xFFFFF086  }
0x25: {  	[simem:s6], [sflag:s4] =	dma.local [hbm:s3], $0xF7A  }
0x26: {  	[smem:$0x3F98] =	sst s1;
	(tag) =	ssettag s2;
	_ =	strace s9  }
0x27: {  	s1 =	sld [smem:$0x3FA8]  }
0x28: {  	s2 =	sld [smem:$0x3FA9]  }
0x29: {  	s4 =	sld [smem:$0x3FAB]  }
0x2a: {  	p0 =	seq.s32 s5, $0x0;
	s5 =	sld [smem:$0x3FAC]  }
0x2b: {  	s6 =	sld [smem:$0x3FAD]  }
0x2c: {  	s7 =	sld [smem:$0x3FAE]  }
0x2d: {  	s3 =	simm.s32 $0x108;
	s8 =	sld [smem:$0x3FAF]  }
0x2e: {  	s3 =	simm.s32 @!p0 $0x1082;
	s9 =	sld [smem:$0x3FB0]  }
0x2f: {  	lr =	sadd.s32 s0, s3;
	s0 =	sld [smem:$0x3FA7]  }
0x30: {  	s3 =	sld [smem:$0x3FAA]  }
0x31: {  	[smem:$0x3FB3] =	sst s10  }
0x32: {  	s10 =	sld [smem:$0x3FB1];
	_ =	sdelay $0x3  }
0x33: {  	p0 =	seq.s32 s10, $0x1;
	s10 =	sld [smem:$0x3FB3];
	_ =	sdelay $0x3  }
0x34: {  	[smem:$0x3FB3] =	sst s10  }
0x35: {  	s10 =	sld [smem:$0x3FB2];
	_ =	sdelay $0x3  }
0x36: {  	p1 =	seq.s32 s10, $0x1;
	s10 =	sld [smem:$0x3FB3];
	_ =	sdelay $0x3  }
0x37: {  	[smem:$0x3FB3] =	sst s10  }
0x38: {  	s10 =	sld [smem:$0x3FB4]  }
0x39: {  	_ = 	snop;
	(pc) =	sbr.ind lr, $3  }
0x3a: {  	_ = 	snop  }
0x3b: {  	_ = 	snop  }
0x3c: {  	p2 =	seq.s32 s10, $0x1;
	s10 =	sld [smem:$0x3FB3]  }
0x3d: {  	_ =	shalt  }
0x3e: {  	_ =	shalt  }
0x3f: {  	_ =	shalt  }
0x40: {  	_ =	shalt  }
0x41: {  	_ =	shalt  }
0x42: {  	_ =	shalt  }
0x43: {  	_ =	shalt  }
0x44: {  	_ =	shalt  }
0x45: {  	_ =	shalt  }
0x46: {  	_ =	shalt  }
0x47: {  	_ =	shalt  }
0x48: {  	_ =	shalt  }
0x49: {  	_ =	shalt  }
0x4a: {  	_ =	shalt  }
0x4b: {  	_ =	shalt  }
0x4c: {  	_ =	shalt  }
0x4d: {  	_ =	shalt  }
0x4e: {  	_ =	shalt  }
0x4f: {  	_ =	shalt  }
0x50: {  	_ =	shalt  }
0x51: {  	_ =	shalt  }
0x52: {  	_ =	shalt  }
0x53: {  	_ =	shalt  }
0x54: {  	_ =	shalt  }
0x55: {  	_ =	shalt  }
0x56: {  	_ =	shalt  }
0x57: {  	_ =	shalt  }
0x58: {  	_ =	shalt  }
0x59: {  	_ =	shalt  }
0x5a: {  	_ =	shalt  }
0x5b: {  	_ =	shalt  }
0x5c: {  	_ =	shalt  }
0x5d: {  	_ =	shalt  }
0x5e: {  	_ =	shalt  }
0x5f: {  	_ =	shalt  }
0x60: {  	_ =	shalt  }
0x61: {  	_ =	shalt  }
0x62: {  	_ =	shalt  }
0x63: {  	_ =	shalt  }
0x64: {  	_ =	shalt  }
0x65: {  	_ =	shalt  }
0x66: {  	_ =	shalt  }
0x67: {  	_ =	shalt  }
0x68: {  	_ =	shalt  }
0x69: {  	_ =	shalt  }
0x6a: {  	_ =	shalt  }
0x6b: {  	_ =	shalt  }
0x6c: {  	_ =	shalt  }
0x6d: {  	_ =	shalt  }
0x6e: {  	_ =	shalt  }
0x6f: {  	_ =	shalt  }
0x70: {  	_ =	shalt  }
0x71: {  	_ =	shalt  }
0x72: {  	_ =	shalt  }
0x73: {  	_ =	shalt  }
0x74: {  	_ =	shalt  }
0x75: {  	_ =	shalt  }
0x76: {  	_ =	shalt  }
0x77: {  	_ =	shalt  }
0x78: {  	_ =	shalt  }
0x79: {  	_ =	shalt  }
0x7a: {  	_ =	shalt  }
0x7b: {  	_ =	shalt  }
0x7c: {  	_ =	shalt  }
0x7d: {  	_ =	shalt  }
0x7e: {  	_ =	shalt  }
0x7f: {  	_ =	shalt  }
0x80: {  	_ =	shalt  }
0x81: {  	_ =	shalt  }
0x82: {  	_ =	shalt  }
0x83: {  	_ =	shalt  }
0x84: {  	_ =	shalt  }
0x85: {  	_ =	shalt  }
0x86: {  	_ =	shalt  }
0x87: {  	_ =	shalt  }
.Lfunc_end0:
.L_simem_size_0:
called_computation_lowered:
.L_overlay_start_0:
0x88: {  	s2 =	sld [smem:$0x3FD9]  }
0x89: {  	s3 =	sld [smem:$0x3FFE];
	_ =	sdelay $0x1  }
0x8a: {  	s1 =	srdreg.scid  }
0x8b: {  	s0 =	sand.u32 $0x1, s1  }
0x8c: {  	s16 =	sshll.u32 s0, $0xA;
	s2 =	sadd.s32 s3, s2  }
0x8d: {  	s2 =	sadd.s32 s2, s16  }
0x8e: {  	[smem:$0x3FBF] =	sst s2  }
0x8f: {  	_ = 	snop  }
0x90: {  	(tm) =	ssettm $0x1  }
0x91: {  	s17 =	sld [smem:$0x3FFB];
	_ =	sdelay $0x3  }
0x92: {  	_ =	strace s17  }
0x93: {  	s2 =	sld [smem:$0x3FFC];
	_ =	sdelay $0x3  }
0x94: {  	_ =	strace s2  }
0x95: {  	s2 =	sld [smem:$0x3FFD];
	_ =	sdelay $0x3  }
0x96: {  	_ =	strace s2  }
0x97: {  	_ =	strace $0x8FFFFFFF  }
0x98: {  	s18 =	sld [smem:$0x3FDB];
	_ =	sdelay $0x1  }
0x99: {  	s19 =	simm.s32 $_scs_section_size  }
0x9a: {  	s4 =	simm.s32 $_size__tile_overlayer_lowered;
	s5 =	simm.s32 $_tile_overlayer_lowered  }
0x9b: {  	s22 =	simm.s32 $0x1BFF;
	s21 =	sshll.u32 s5, $0x1;
	s2 =	sadd.s32 s19, s18  }
0x9c: {  	s6 =	simm.s32 $0x0;
	s20 =	sshll.u32 s4, $0x1;
	s4 =	sadd.s32 s21, s2  }
0x9d: {  	[timem:s6], [sflag:s22] =	dma.local [hbm:s4], s20  }
0x9e: {  	_ =	swait.ge [sflag:s22], s20  }
0x9f: {  	s3 =	ssub.s32 $0x0, s20;
	[sflag:s22] =	ssyncset.done $0x0  }
0xa0: {  	[sflag:s22] =	ssyncadd.s32 s3;
	_ =	sdelay $0x1  }
0xa1: {  	s23 =	simm.s32 $0x1B8B  }
0xa2: {  	_ =	swait.ge [sflag:s23], $0x1  }
0xa3: {  	[sflag:s23] =	ssyncset.done $0x0  }
0xa4: {  	s25 =	simm.s32 $0x1B8E;
	s24 =	sld [smem:$0x3FFE];
	[sflag:s23] =	ssyncadd.s32 $0xFFFFFFFF  }
0xa5: {  	s26 =	simm.s32 $execute0_lowered;
	[smem:$0x3FD2] =	sst s25  }
0xa6: {  	s4 =	sshll.u32 s26, $0x1;
	_ =	strace $0x80000046;
	[dreg:$0x1] =	wrdreg $0xFFFFFFFF  }
0xa7: {  	s28 =	simm.s32 $_size_execute0_lowered;
	s2 =	sadd.s32 s2, s4;
	[dreg:$0x0] =	wrdreg $0x0  }
0xa8: {  	s4 =	sshll.u32 s28, $0x1;
	[dreg:$0x2] =	wrdreg s2  }
0xa9: {  	[dreg:$0x3] =	wrdreg s4  }
0xaa: {  	[dreg:$0x4] =	wrdreg $0xC0  }
0xab: {  	_ =	task [dreg:s6], $0x5FFFF  }
0xac: {  	[dreg:$0x1] =	wrdreg $0xFFFFFFFF  }
0xad: {  	[dreg:$0x0] =	wrdreg $0x60  }
0xae: {  	[dreg:$0x2] =	wrdreg s24  }
0xaf: {  	[dreg:$0x3] =	wrdreg $0xC4000  }
0xb0: {  	[dreg:$0x4] =	wrdreg $0x9  }
0xb1: {  	_ =	task.clear_ibuf [dreg:s6], $0x5FFFF;
	_ =	strace $0x90000046  }
0xb2: {  	s29 =	simm.s32 $0x9;
	_ =	strace $0x80000048  }
0xb3: {  	_ =	swait.ge [sflag:s29], $0x1  }
0xb4: {  	[sflag:s29] =	ssyncadd.s32 $0xFFFFFFFF  }
0xb5: {  	_ =	strace $0x90000048  }
0xb6: {  	_ =	sfence  }
0xb7: {  	s30 =	sld [smem:$0x0];
	_ =	sdelay $0x2  }
0xb8: {  	s31 =	sshll.u32 s1, $0xD;
	s1 =	sshrl.u32 s1, $0x2  }
0xb9: {  	s3 =	sand.u32 $0x4000, s31;
	s1 =	sadd.s32 s1, s30  }
0xba: {  	s0 =	sor.u32 s3, s0;
	s1 =	sshll.u32 s1, $0x11  }
0xbb: {  	s0 =	sor.u32 s1, s0  }
0xbc: {  	s0 =	sadd.s32 $0x8F2B, s0  }
0xbd: {  	[sflag:s0] =	ssyncadd.remote.s32 $0x1  }
0xbe: {  	_ =	sfence.sel $0xFFFF  }
0xbf: {  	[dreg:$0x0] =	wrdreg $0xFFFFFFFF;
	(pc) =	sbr.abs _section_cstart, $3  }
0xc0: {  	[dreg:$0x1] =	wrdreg $0xFFFFFFFF  }
0xc1: {  	_ =	task.clear_ibuf [dreg:s6], $0x2FFFF;
	_ =	strace $0x9FFFFFFF  }
0xc2: {  	(tm) =	ssettm $0x7FFFFFFF  }
0xc3: {  	_ =	shalt  }
tec
execute0_lowered:
.L_overlay_start_1:
0x0: {  	(tag) =	ssettag $0x1  }
0x1: {  	s0 =	rddreg [dreg:$0x0]  }
0x2: {  	s1 =	rddreg [dreg:$0x1]  }
0x3: {  	s3 =	simm.s32 $0x0;
	s2 =	srdreg.scid;
	s24 =	stileid.u32  }
0x4: {  	s16 =	simm.s32 $0x400;
	s17 =	simm.s32 $0x4400;
	s18 =	simm.s32 $0x1  }
0x5: {  	s19 =	simm.s32 $0x100;
	s20 =	simm.s32 $0x8400;
	s21 =	simm.s32 $0x200  }
0x6: {  	s22 =	simm.s32 $0x2;
	s23 =	simm.s32 $0x180;
	s28 =	simm.s32 $0x380  }
0x7: {  	s29 =	simm.s32 $0x0;
	[smem:$0x7FF] =	sst s3;
	s8 =	smul.u32 $0x270, s24  }
0x8: {  	s7 =	sand.u32 $0x1, s2;
	s4 =	sadd.s32 $0x28000, s0;
	s10 =	smul.u32 $0x4E000, s24  }
0x9: {  	s11 =	sadd.s32 $0x76200, s0;
	s30 =	sshll.u32 s24, $0x6;
	s15 =	smul.u32 $0x1400, s24  }
0xa: {  	s14 =	sadd.s32 $0x138000, s1;
	p0 =	sne.s32 s24, $0xF;
	s5 =	smul.u32 $0x2710, s7  }
0xb: {  	s24 =	simm.s32 $0x280;
	s6 =	ssub.s32 $0x2, s7;
	s26 =	smul.u32 $0x138800, s7  }
0xc: {  	_ =	strace $0x80000047;
	s31 =	smul.u32 $0x14000, s7;
	s9 =	sshrl.u32 s6, $0x1  }
0xd: {  	s14 =	sshrl.u32 @!p0 s14, $0x3;
	s25 =	sshrl.u32 s10, $0x2;
	s12 =	ssub.s32 s6, s9  }
0xe: {  	s5 =	sadd.s32 s8, s5;
	s13 =	sadd.s32 s25, s1;
	s6 =	sor.u32 $0x1C04, s30  }
0xf: {  	s9 =	sshrl.u32 s26, $0x3;
	s0 =	sadd.s32 s31, s0;
	s25 =	simm.s32 $0x3  }
0x10: {  	s26 =	simm.s32 $0x300;
	s8 =	sshll.u32 s5, $0x4;
	s9 =	sadd.s32 $0x27000, s9  }
0x11: {  	s10 =	smax.u32 s12, $0x1;
	s12 =	sshrl.u32 s13, $0x3;
	s13 =	simm.s32 $0x4  }
0x12: {  	s5 =	sadd.s32 s4, s8;
	s7 =	sadd.s32 s4, s9;
	s8 =	sadd.s32 s11, s8  }
0x13: {  	s9 =	sadd.s32 s11, s9;
	s11 =	sadd.s32 s15, s0;
	s15 =	simm.s32 $0x80  }
.LBB2_1:
0x14: {  	[spmem:s12], [sflag:s6] =	dma.local [hbm:s5], $0x2700  }
0x15: {  	_ =	swait.ge [sflag:s13], $0x2700  }
0x16: {  	[sflag:s13] =	ssyncset.done $0x0  }
0x17: {  	s0 =	simm.s32 @!p0 $0x4;
	[sflag:s13] =	ssyncadd.s32 $0xFFFFD900  }
0x18: {  	[spmem:s14], [sflag:s6] =	dma.local @!p0 [hbm:s7], $0x100  }
0x19: {  	_ =	swait.ge @!p0 [sflag:s0], $0x100  }
0x1a: {  	[sflag:s0] =	ssyncset.done @!p0 $0x0  }
0x1b: {  	[sflag:s0] =	ssyncadd.s32 @!p0 $0xFFFFFF00  }
0x1c: {  	s2 =	sadd.s32 $0x0, s11;
	[bflag:$0x0] =	sbarrier.arrive $0xFFFF  }
0x1d: {  	[tilespmem:s3], [sflag:$0x4] =	stream.linear.gather [hbm4b:s2+s3], $0x400, $0x38;
	[tilespmem:$0x1FCC0] =	vst v63  }
0x1e: {  	_ =	swait.ge [sflag:s13], $0x400  }
0x1f: {  	[sflag:s13] =	ssyncset.done $0x0  }
0x20: {  	[sflag:s13] =	ssyncadd.s32 $0xFFFFFC00  }
0x21: {  	[tilespmem:s16], [sflag:$0x1] =	stream.indirect.gather [hbm4b:s4+s15], $0x80, s3, s15, $0xb8;
	[tilespmem:$0x1FCC0] =	vst v63  }
0x22: {  	_ = 	snop  }
0x23: {  	[tilespmem:s17], [sflag:$0x2] =	stream.indirect.gather [hbm4b:s4+s15], $0x80, s15, s15, $0xb8;
	[tilespmem:$0x1FCC0] =	vst v63  }
0x24: {  	_ =	swait.ge [sflag:s18], $0x4000  }
0x25: {  	[sflag:s18] =	ssyncset.done $0x0  }
0x26: {  	[sflag:s18] =	ssyncadd.s32 $0xFFFFC000  }
0x27: {  	[tilespmem:s20], [sflag:$0x3] =	stream.indirect.gather [hbm4b:s4+s15], $0x80, s19, s15, $0xb8;
	[tilespmem:$0x1FCC0] =	vst v63  }
0x28: {  	_ = 	snop  }
0x29: {  	[spmem:s1] =	stream.indirect.scatter.add.f32 [tilespmem:s16], [sflag:$0x4], $0x80, s21, s15, $0xb8;
	[tilespmem:$0x1FCC0] =	vst v63  }
0x2a: {  	_ =	swait.ge [sflag:s13], $0x4000  }
0x2b: {  	[sflag:s13] =	ssyncset.done $0x0  }
0x2c: {  	[sflag:s13] =	ssyncadd.s32 $0xFFFFC000  }
0x2d: {  	_ =	swait.ge [sflag:s22], $0x4000  }
0x2e: {  	[sflag:s22] =	ssyncset.done $0x0  }
0x2f: {  	[sflag:s22] =	ssyncadd.s32 $0xFFFFC000  }
0x30: {  	[tilespmem:s16], [sflag:$0x1] =	stream.indirect.gather [hbm4b:s4+s15], $0x80, s23, s15, $0xb8;
	[tilespmem:$0x1FCC0] =	vst v63  }
0x31: {  	_ = 	snop  }
0x32: {  	[spmem:s1] =	stream.indirect.scatter.add.f32 [tilespmem:s17], [sflag:$0x4], $0x80, s24, s15, $0xb8;
	[tilespmem:$0x1FCC0] =	vst v63  }
0x33: {  	_ =	swait.ge [sflag:s13], $0x4000  }
0x34: {  	[sflag:s13] =	ssyncset.done $0x0  }
0x35: {  	[sflag:s13] =	ssyncadd.s32 $0xFFFFC000  }
0x36: {  	_ =	swait.ge [sflag:s25], $0x4000  }
0x37: {  	[sflag:s25] =	ssyncset.done $0x0  }
0x38: {  	[sflag:s25] =	ssyncadd.s32 $0xFFFFC000  }
0x39: {  	[spmem:s1] =	stream.indirect.scatter.add.f32 [tilespmem:s20], [sflag:$0x4], $0x80, s26, s15, $0xb8;
	[tilespmem:$0x1FCC0] =	vst v63  }
0x3a: {  	_ =	swait.ge [sflag:s13], $0x4000  }
0x3b: {  	[sflag:s13] =	ssyncset.done $0x0  }
0x3c: {  	[sflag:s13] =	ssyncadd.s32 $0xFFFFC000  }
0x3d: {  	_ =	swait.ge [sflag:s18], $0x4000  }
0x3e: {  	[sflag:s18] =	ssyncset.done $0x0  }
0x3f: {  	[sflag:s18] =	ssyncadd.s32 $0xFFFFC000  }
0x40: {  	[spmem:s1] =	stream.indirect.scatter.add.f32 [tilespmem:s16], [sflag:$0x4], $0x80, s28, s15, $0xb8;
	[tilespmem:$0x1FCC0] =	vst v63  }
0x41: {  	_ =	swait.ge [sflag:s13], $0x4000  }
0x42: {  	s30 =	simm.s32 $0x80;
	s31 =	simm.s32 $0x100;
	[sflag:s13] =	ssyncset.done $0x0  }
.LBB2_2:
0x43: {  	s2 =	sadd.s32 s30, s11  }
0x44: {  	[sflag:s13] =	ssyncadd.s32 $0xFFFFC000;
	s30 =	smov.u32 s31;
	s0 =	sadd.s32 $0x80, s31  }
0x45: {  	[tilespmem:s3], [sflag:$0x4] =	stream.linear.gather [hbm4b:s2+s3], $0x400, $0x38;
	[tilespmem:$0x1FCC0] =	vst v63  }
0x46: {  	p1 =	sne.s32 s31, $0x1380;
	_ =	swait.ge [sflag:s13], $0x400  }
0x47: {  	[sflag:s13] =	ssyncset.done $0x0  }
0x48: {  	[sflag:s13] =	ssyncadd.s32 $0xFFFFFC00  }
0x49: {  	[tilespmem:s16], [sflag:$0x1] =	stream.indirect.gather [hbm4b:s4+s15], $0x80, s3, s15, $0xb8;
	[tilespmem:$0x1FCC0] =	vst v63  }
0x4a: {  	_ = 	snop  }
0x4b: {  	[tilespmem:s17], [sflag:$0x2] =	stream.indirect.gather [hbm4b:s4+s15], $0x80, s15, s15, $0xb8;
	[tilespmem:$0x1FCC0] =	vst v63  }
0x4c: {  	_ =	swait.ge [sflag:s18], $0x4000  }
0x4d: {  	[sflag:s18] =	ssyncset.done $0x0  }
0x4e: {  	[sflag:s18] =	ssyncadd.s32 $0xFFFFC000  }
0x4f: {  	[tilespmem:s20], [sflag:$0x3] =	stream.indirect.gather [hbm4b:s4+s15], $0x80, s19, s15, $0xb8;
	[tilespmem:$0x1FCC0] =	vst v63  }
0x50: {  	_ = 	snop  }
0x51: {  	[spmem:s1] =	stream.indirect.scatter.add.f32 [tilespmem:s16], [sflag:$0x4], $0x80, s21, s15, $0xb8;
	[tilespmem:$0x1FCC0] =	vst v63  }
0x52: {  	_ =	swait.ge [sflag:s13], $0x4000  }
0x53: {  	[sflag:s13] =	ssyncset.done $0x0  }
0x54: {  	[sflag:s13] =	ssyncadd.s32 $0xFFFFC000  }
0x55: {  	_ =	swait.ge [sflag:s22], $0x4000  }
0x56: {  	[sflag:s22] =	ssyncset.done $0x0  }
0x57: {  	[sflag:s22] =	ssyncadd.s32 $0xFFFFC000  }
0x58: {  	[tilespmem:s16], [sflag:$0x1] =	stream.indirect.gather [hbm4b:s4+s15], $0x80, s23, s15, $0xb8;
	[tilespmem:$0x1FCC0] =	vst v63  }
0x59: {  	_ = 	snop  }
0x5a: {  	[spmem:s1] =	stream.indirect.scatter.add.f32 [tilespmem:s17], [sflag:$0x4], $0x80, s24, s15, $0xb8;
	[tilespmem:$0x1FCC0] =	vst v63  }
0x5b: {  	_ =	swait.ge [sflag:s13], $0x4000  }
0x5c: {  	[sflag:s13] =	ssyncset.done $0x0  }
0x5d: {  	[sflag:s13] =	ssyncadd.s32 $0xFFFFC000  }
0x5e: {  	_ =	swait.ge [sflag:s25], $0x4000  }
0x5f: {  	[sflag:s25] =	ssyncset.done $0x0  }
0x60: {  	[sflag:s25] =	ssyncadd.s32 $0xFFFFC000  }
0x61: {  	[spmem:s1] =	stream.indirect.scatter.add.f32 [tilespmem:s20], [sflag:$0x4], $0x80, s26, s15, $0xb8;
	[tilespmem:$0x1FCC0] =	vst v63  }
0x62: {  	_ =	swait.ge [sflag:s13], $0x4000  }
0x63: {  	[sflag:s13] =	ssyncset.done $0x0  }
0x64: {  	[sflag:s13] =	ssyncadd.s32 $0xFFFFC000  }
0x65: {  	_ =	swait.ge [sflag:s18], $0x4000  }
.Ltmp0:
0x66: {  	[sflag:s18] =	ssyncset.done $0x0;
	(pc) =	sbr.rel @p1 .LBB2_2-.Ltmp0, $4  }
0x67: {  	[sflag:s18] =	ssyncadd.s32 $0xFFFFC000  }
0x68: {  	[spmem:s1] =	stream.indirect.scatter.add.f32 [tilespmem:s16], [sflag:$0x4], $0x80, s28, s15, $0xb8;
	[tilespmem:$0x1FCC0] =	vst v63  }
0x69: {  	_ =	swait.ge [sflag:s13], $0x4000  }
0x6a: {  	s31 =	smov.u32 s0;
	[sflag:s13] =	ssyncset.done $0x0  }
0x6b: {  	s0 =	sadd.s32 s30, s11;
	[sflag:s13] =	ssyncadd.s32 $0xFFFFC000  }
0x6c: {  	[tilespmem:s3], [sflag:$0x4] =	stream.linear.gather [hbm4b:s0+s3], $0x400, $0x38;
	[tilespmem:$0x1FCC0] =	vst v63  }
0x6d: {  	_ =	swait.ge [sflag:s13], $0x400  }
0x6e: {  	[sflag:s13] =	ssyncset.done $0x0  }
0x6f: {  	[sflag:s13] =	ssyncadd.s32 $0xFFFFFC00  }
0x70: {  	[tilespmem:s16], [sflag:$0x1] =	stream.indirect.gather [hbm4b:s4+s15], $0x80, s3, s15, $0xb8;
	[tilespmem:$0x1FCC0] =	vst v63  }
0x71: {  	_ = 	snop  }
0x72: {  	[tilespmem:s17], [sflag:$0x2] =	stream.indirect.gather [hbm4b:s4+s15], $0x80, s15, s15, $0xb8;
	[tilespmem:$0x1FCC0] =	vst v63  }
0x73: {  	_ =	swait.ge [sflag:s18], $0x4000  }
0x74: {  	[sflag:s18] =	ssyncset.done $0x0  }
0x75: {  	[sflag:s18] =	ssyncadd.s32 $0xFFFFC000  }
0x76: {  	[tilespmem:s20], [sflag:$0x3] =	stream.indirect.gather [hbm4b:s4+s15], $0x80, s19, s15, $0xb8;
	[tilespmem:$0x1FCC0] =	vst v63  }
0x77: {  	_ = 	snop  }
0x78: {  	[spmem:s1] =	stream.indirect.scatter.add.f32 [tilespmem:s16], [sflag:$0x4], $0x80, s21, s15, $0xb8;
	[tilespmem:$0x1FCC0] =	vst v63  }
0x79: {  	_ =	swait.ge [sflag:s13], $0x4000  }
0x7a: {  	[sflag:s13] =	ssyncset.done $0x0  }
0x7b: {  	[sflag:s13] =	ssyncadd.s32 $0xFFFFC000  }
0x7c: {  	_ =	swait.ge [sflag:s22], $0x4000  }
0x7d: {  	[sflag:s22] =	ssyncset.done $0x0  }
0x7e: {  	[sflag:s22] =	ssyncadd.s32 $0xFFFFC000  }
0x7f: {  	[tilespmem:s16], [sflag:$0x1] =	stream.indirect.gather [hbm4b:s4+s15], $0x80, s23, s15, $0xb8;
	[tilespmem:$0x1FCC0] =	vst v63  }
0x80: {  	_ = 	snop  }
0x81: {  	[spmem:s1] =	stream.indirect.scatter.add.f32 [tilespmem:s17], [sflag:$0x4], $0x80, s24, s15, $0xb8;
	[tilespmem:$0x1FCC0] =	vst v63  }
0x82: {  	_ =	swait.ge [sflag:s13], $0x4000  }
0x83: {  	[sflag:s13] =	ssyncset.done $0x0  }
0x84: {  	[sflag:s13] =	ssyncadd.s32 $0xFFFFC000  }
0x85: {  	_ =	swait.ge [sflag:s25], $0x4000  }
0x86: {  	[sflag:s25] =	ssyncset.done $0x0  }
0x87: {  	[sflag:s25] =	ssyncadd.s32 $0xFFFFC000  }
0x88: {  	[spmem:s1] =	stream.indirect.scatter.add.f32 [tilespmem:s20], [sflag:$0x4], $0x80, s26, s15, $0xb8;
	[tilespmem:$0x1FCC0] =	vst v63  }
0x89: {  	_ =	swait.ge [sflag:s13], $0x4000  }
0x8a: {  	[sflag:s13] =	ssyncset.done $0x0  }
0x8b: {  	[sflag:s13] =	ssyncadd.s32 $0xFFFFC000  }
0x8c: {  	_ =	swait.ge [sflag:s18], $0x4000  }
0x8d: {  	[sflag:s18] =	ssyncset.done $0x0  }
0x8e: {  	[sflag:s18] =	ssyncadd.s32 $0xFFFFC000  }
0x8f: {  	[spmem:s1] =	stream.indirect.scatter.add.f32 [tilespmem:s16], [sflag:$0x4], $0x80, s28, s15, $0xb8;
	[tilespmem:$0x1FCC0] =	vst v63  }
0x90: {  	_ =	swait.ge [sflag:s13], $0x4000  }
0x91: {  	[sflag:s13] =	ssyncset.done $0x0  }
0x92: {  	[sflag:s13] =	ssyncadd.s32 $0xFFFFC000  }
0x93: {  	[bflag:$0x0] =	sbarrier.arrive $0xFFFF  }
0x94: {  	[hbm:s8], [sflag:s6] =	dma.local [spmem:s12], $0x2700  }
0x95: {  	s29 =	sadd.s32 $0x1, s29;
	_ =	swait.ge [sflag:s13], $0x2700  }
0x96: {  	p1 =	sne.s32 s29, s10;
	[sflag:s13] =	ssyncset.done $0x0  }
.Ltmp1:
0x97: {  	s0 =	simm.s32 @!p0 $0x4;
	[sflag:s13] =	ssyncadd.s32 $0xFFFFD900;
	(pc) =	sbr.rel @p1 .LBB2_1-.Ltmp1, $4  }
0x98: {  	[hbm:s9], [sflag:s6] =	dma.local @!p0 [spmem:s14], $0x100  }
0x99: {  	_ =	swait.ge @!p0 [sflag:s0], $0x100  }
0x9a: {  	[sflag:s0] =	ssyncset.done @!p0 $0x0  }
0x9b: {  	[sflag:s0] =	ssyncadd.s32 @!p0 $0xFFFFFF00  }
0x9c: {  	_ =	sfence.sel $0x180000  }
0x9d: {  	[bflag:$0x0] =	sbarrier.arrive $0xFFFF  }
0x9e: {  	_ =	strace $0x90000047  }
0x9f: {  	s0 =	stileid.u32;
	[bflag:$0x2] =	sbarrier.arrive $0xFFFF  }
0xa0: {  	p0 =	sne.s32 s0, $0x0;
	s0 =	rddreg [dreg:$0x2]  }
0xa1: {  	s0 =	sadd.s32 @!p0 $0x100000, s0  }
0xa2: {  	[sflag:s0] =	ssyncadd.tile.s32 @!p0 $0x1;
	_ =	shalt  }
.Lfunc_end2:
_tile_overlayer_lowered:
.L_overlay_start_2:
0xa3: {  	(tag) =	ssettag $0x2  }
0xa4: {  	s0 =	rddreg [dreg:$0x0];
	s2 =	stileid.u32  }
0xa5: {  	s1 =	rddreg [dreg:$0x1];
	p0 =	sne.s32 s2, $0x0  }
0xa6: {  	s3 =	rddreg [dreg:$0x2];
	[bflag:$0x3] =	sbarrier.arrive $0xFFFF;
	s2 =	simm.s32 @!p0 $0x1C04  }
0xa7: {  	[timem:s3], [sflag:s2] =	dma.local @!p0 [hbm:s0], s1  }
0xa8: {  	s0 =	simm.s32 @!p0 $0x4  }
0xa9: {  	_ =	swait.ge @!p0 [sflag:s0], s1  }
0xaa: {  	s1 =	ssub.s32 @!p0 $0x0, s1;
	[sflag:s0] =	ssyncset.done @!p0 $0x0  }
0xab: {  	[sflag:s0] =	ssyncadd.s32 @!p0 s1  }
0xac: {  	[bflag:$0x3] =	sbarrier.arrive $0xFFFF  }
0xad: {  	_ =	shalt  }

</sc_bundles>
